<compile_context>
chip_gen: v7x
topology: tpu7x:2x2x1
jax: 0.10.2.dev20260603
libtpu: 0.0.44.dev20260713+nightly
codegen_flags: <defaults>
</compile_context>

<pallas_src>
import functools

import jax
import jax.numpy as jnp
from jax import lax
from jax.experimental import pallas as pl
from jax.experimental.pallas import tpu as pltpu
from jax.experimental.pallas import tpu_sc as plsc

N = 10000
D_IN = 128
D_H = 8
D_OUT = 128

NSC = 2
TPS = 16
NTILES = NSC * TPS
C = 128
NPAD = 10240
RPT = NPAD // TPS


def _sc_pass(src3, dst3, g, zeros_g, nch):
    mesh = plsc.VectorSubcoreMesh(core_axis_name="c", subcore_axis_name="s")

    @functools.partial(
        pl.kernel,
        mesh=mesh,
        out_type=jax.ShapeDtypeStruct((NSC, NPAD, D_H), jnp.float32),
        scratch_types=[
            pltpu.VMEM((nch, C), jnp.int32),
            pltpu.VMEM((nch, C), jnp.int32),
            pltpu.VMEM((C, D_H), jnp.float32),
            pltpu.SemaphoreType.DMA,
            pltpu.VMEM_SHARED((NPAD, D_H), jnp.float32),
            pltpu.VMEM_SHARED((NPAD, D_H), jnp.float32),
        ],
        compiler_params=pltpu.CompilerParams(use_tc_tiling_on_sc=True),
    )
    def k(src_hbm, dst_hbm, g_hbm, z_hbm, out_hbm,
          src_v, dst_v, msg_v, sem, g_sh, p_sh):
        c = lax.axis_index("c")
        s = lax.axis_index("s")
        wid = c * TPS + s
        rows = pl.ds(s * RPT, RPT)
        @pl.when(s < TPS - 1)
        def _():
            pltpu.sync_copy(g_hbm.at[rows], g_sh.at[rows])

        @pl.when(s == TPS - 1)
        def _():
            last = pl.ds((TPS - 1) * RPT, N - (TPS - 1) * RPT)
            pltpu.sync_copy(g_hbm.at[last], g_sh.at[last])

        pltpu.sync_copy(z_hbm.at[rows], p_sh.at[rows])
        pltpu.sync_copy(src_hbm.at[wid], src_v)
        pltpu.sync_copy(dst_hbm.at[wid], dst_v)
        plsc.subcore_barrier()

        def chunk(j, carry):
            pltpu.async_copy(g_sh.at[src_v.at[j]], msg_v, sem).wait()
            pltpu.sync_copy(msg_v, p_sh.at[dst_v.at[j]], add=True)
            return carry

        lax.fori_loop(0, nch, chunk, 0)
        plsc.subcore_barrier()
        pltpu.sync_copy(p_sh.at[rows], out_hbm.at[c, rows])

    return k(src3, dst3, g, zeros_g)


def _sc_deg(dst3, ones_g, zeros_g, nch):
    mesh = plsc.VectorSubcoreMesh(core_axis_name="c", subcore_axis_name="s")

    @functools.partial(
        pl.kernel,
        mesh=mesh,
        out_type=jax.ShapeDtypeStruct((NSC, NPAD, D_H), jnp.float32),
        scratch_types=[
            pltpu.VMEM((nch, C), jnp.int32),
            pltpu.VMEM((C, D_H), jnp.float32),
            pltpu.VMEM_SHARED((NPAD, D_H), jnp.float32),
        ],
        compiler_params=pltpu.CompilerParams(use_tc_tiling_on_sc=True),
    )
    def k(dst_hbm, ones_hbm, z_hbm, out_hbm, dst_v, msg_v, p_sh):
        c = lax.axis_index("c")
        s = lax.axis_index("s")
        wid = c * TPS + s
        rows = pl.ds(s * RPT, RPT)
        pltpu.sync_copy(z_hbm.at[rows], p_sh.at[rows])
        pltpu.sync_copy(ones_hbm.at[pl.ds(0, C)], msg_v)
        pltpu.sync_copy(dst_hbm.at[wid], dst_v)
        plsc.subcore_barrier()

        def chunk(j, carry):
            pltpu.sync_copy(msg_v, p_sh.at[dst_v.at[j]], add=True)
            return carry

        lax.fori_loop(0, nch, chunk, 0)
        plsc.subcore_barrier()
        pltpu.sync_copy(p_sh.at[rows], out_hbm.at[c, rows])

    return k(dst3, ones_g, zeros_g)


def _tc_prep(x, W1, deg2):
    BR = 1000

    def body(x_ref, w_ref, d_ref, g1_ref, dinv_ref):
        deg = d_ref[0] + d_ref[1]
        dinv = lax.rsqrt(deg)
        h = jnp.dot(x_ref[...], w_ref[...], preferred_element_type=jnp.float32)
        g1_ref[...] = h * dinv
        dinv_ref[...] = dinv

    return pl.pallas_call(
        body,
        grid=(N // BR,),
        in_specs=[
            pl.BlockSpec((BR, D_IN), lambda i: (i, 0)),
            pl.BlockSpec((D_IN, D_H), lambda i: (0, 0)),
            pl.BlockSpec((NSC, BR, D_H), lambda i: (0, i, 0)),
        ],
        out_specs=[
            pl.BlockSpec((BR, D_H), lambda i: (i, 0)),
            pl.BlockSpec((BR, D_H), lambda i: (i, 0)),
        ],
        out_shape=[
            jax.ShapeDtypeStruct((N, D_H), jnp.float32),
            jax.ShapeDtypeStruct((N, D_H), jnp.float32),
        ],
    )(x, W1, deg2)


def _tc_mid(p2, dinv, b1):
    BR = 1000

    def body(p_ref, dinv_ref, b_ref, g2_ref):
        p = p_ref[0] + p_ref[1]
        dinv = dinv_ref[...]
        a = jnp.maximum(p * dinv + b_ref[...], 0.0)
        g2_ref[...] = a * dinv

    return pl.pallas_call(
        body,
        grid=(N // BR,),
        in_specs=[
            pl.BlockSpec((NSC, BR, D_H), lambda i: (0, i, 0)),
            pl.BlockSpec((BR, D_H), lambda i: (i, 0)),
            pl.BlockSpec((1, D_H), lambda i: (0, 0)),
        ],
        out_specs=pl.BlockSpec((BR, D_H), lambda i: (i, 0)),
        out_shape=jax.ShapeDtypeStruct((N, D_H), jnp.float32),
    )(p2, dinv, b1)


def _tc_out(p2, dinv, W2, b2):
    BR = 1000

    def body(p_ref, dinv_ref, w_ref, b_ref, out_ref):
        a = (p_ref[0] + p_ref[1]) * dinv_ref[...]
        out_ref[...] = (
            jnp.dot(a, w_ref[...], preferred_element_type=jnp.float32)
            + b_ref[...]
        )

    return pl.pallas_call(
        body,
        grid=(N // BR,),
        in_specs=[
            pl.BlockSpec((NSC, BR, D_H), lambda i: (0, i, 0)),
            pl.BlockSpec((BR, D_H), lambda i: (i, 0)),
            pl.BlockSpec((D_H, D_OUT), lambda i: (0, 0)),
            pl.BlockSpec((1, D_OUT), lambda i: (0, 0)),
        ],
        out_specs=pl.BlockSpec((BR, D_OUT), lambda i: (i, 0)),
        out_shape=jax.ShapeDtypeStruct((N, D_OUT), jnp.float32),
    )(p2, dinv, W2, b2)


def kernel(x, edge_index, W1, b1, W2, b2):
    e = edge_index.shape[1]
    ntot = e + N
    nch = -(-ntot // (NTILES * C))
    epad = NTILES * C * nch - ntot

    ei = edge_index.astype(jnp.int32)
    loop = jnp.arange(N, dtype=jnp.int32)
    padv = jnp.full((epad,), N, jnp.int32)
    src3 = jnp.concatenate([ei[0], loop, padv]).reshape(NTILES, nch, C)
    dst3 = jnp.concatenate([ei[1], loop, padv]).reshape(NTILES, nch, C)

    ones_g = jnp.ones((NPAD, D_H), jnp.float32)
    zeros_g = jnp.zeros((NPAD, D_H), jnp.float32)

    deg2 = _sc_deg(dst3, ones_g, zeros_g, nch)
    g1, dinv = _tc_prep(x, W1, deg2)
    p1 = _sc_pass(src3, dst3, g1, zeros_g, nch)
    g2 = _tc_mid(p1, dinv, b1.reshape(1, D_H))
    p2 = _sc_pass(src3, dst3, g2, zeros_g, nch)
    return _tc_out(p2, dinv, W2, b2.reshape(1, D_OUT))

# --- scband reference (transcript-rebuilt; emitter-appended) ---
"""Pipeline reference for scband-gcn-53197464928416 (READ-ONLY COPY).

The authoritative reference and input builder live on the scoring server;
editing this copy changes nothing except your own understanding.
"""

import jax, jax.numpy as jnp
import numpy as np

N = 10000
E = 320000
D_IN = 128
D_H = 8
D_OUT = 128


def gcn_conv(x, edge_index, W, b):
    n = x.shape[0]
    src = edge_index[0]
    dst = edge_index[1]
    loop = jnp.arange(n, dtype=edge_index.dtype)
    src = jnp.concatenate([src, loop])
    dst = jnp.concatenate([dst, loop])
    # symmetric normalization deg^{-1/2} (in-degree incl. self-loops)
    deg = jnp.zeros((n,), dtype=x.dtype).at[dst].add(1.0)
    deg_inv_sqrt = jax.lax.rsqrt(deg)
    norm = deg_inv_sqrt[src] * deg_inv_sqrt[dst]
    h = x @ W
    msg = h[src] * norm[:, None]
    out = jnp.zeros((n, h.shape[1]), dtype=x.dtype).at[dst].add(msg)
    return out + b


def setup_inputs(seed: int = 0) -> dict:
    key = jax.random.key(seed)
    k1, k2, k3, k4, k5, k6 = jax.random.split(key, 6)
    x = jax.random.normal(k1, (N, D_IN), dtype=jnp.float32)
    edge_index = jax.random.randint(k2, (2, E), 0, N, dtype=jnp.int64)
    s1 = float(np.sqrt(6.0 / (D_IN + D_H)))
    s2 = float(np.sqrt(6.0 / (D_H + D_OUT)))
    W1 = jax.random.uniform(k3, (D_IN, D_H), dtype=jnp.float32, minval=-s1, maxval=s1)
    b1 = jnp.zeros((D_H,), dtype=jnp.float32)
    W2 = jax.random.uniform(k4, (D_H, D_OUT), dtype=jnp.float32, minval=-s2, maxval=s2)
    b2 = jnp.zeros((D_OUT,), dtype=jnp.float32)
    return {"x": x, "edge_index": edge_index, "W1": W1, "b1": b1, "W2": W2, "b2": b2}


def reference(x, edge_index, W1, b1, W2, b2):
    # conv1 -> relu -> (dropout is identity in eval) -> conv2
    h = gcn_conv(x, edge_index, W1, b1)
    h = jax.nn.relu(h)
    out = gcn_conv(h, edge_index, W2, b2)
    return out

if __name__ == "__main__":
    import jax
    _d = setup_inputs()
    print(jax.jit(kernel)(*tuple(_d.values())))

</pallas_src>

<mosaic_0001>
#map = affine_map<(d0, d1) -> (0, 0, 0)>
#map1 = affine_map<(d0, d1) -> (0, 0)>
module attributes {stable_mosaic.version = 14 : i64} {
  func.func @k(%arg0: i32, %arg1: i32, %arg2: memref<32x81x128xi32, #tpu.memory_space<hbm>>, %arg3: memref<10240x8xf32, #tpu.memory_space<hbm>>, %arg4: memref<10240x8xf32, #tpu.memory_space<hbm>>, %arg5: memref<2x10240x8xf32, #tpu.memory_space<hbm>>, %arg6: memref<81x128xi32, #tpu.memory_space<vmem>>, %arg7: memref<128x8xf32, #tpu.memory_space<vmem>>, %arg8: memref<10240x8xf32, #tpu.memory_space<vmem_shared>>) attributes {dimension_semantics = [#tpu.dimension_semantics<core_parallel>, #tpu.dimension_semantics<subcore_parallel>], iteration_bounds = array<i64: 2, 16>, scalar_prefetch = 0 : i64, scratch_operands = 3 : i64, tpu.core_type = #tpu.core_type<sc_vector_subcore>, window_params = [{transform_indices = #map}, {transform_indices = #map1}, {transform_indices = #map1}, {transform_indices = #map}]} {
    %mul3A = arith.constant 16 : i32
    %mul3A_0 = arith.muli %arg0, %mul3A : i32
    %add3A = arith.addi %mul3A_0, %arg1 : i32
    %mul3A_1 = arith.constant 640 : i32
    %mul3A_2 = arith.muli %arg1, %mul3A_1 : i32
    "tpu.region"() ({
      %run_scoped3A = tpu.sem_alloc : memref<!tpu.dma_semaphore, #tpu.memory_space<semaphore_mem>>
      %dma_start3A = arith.constant 0 : i32
      %dma_start3A_9 = tpu.memref_slice %arg8[%mul3A_2, %dma_start3A] : memref<10240x8xf32, #tpu.memory_space<vmem_shared>> -> memref<640x8xf32, #tpu.memory_space<vmem_shared>>
      %dma_start3A_10 = arith.constant 0 : i32
      %dma_start3A_11 = tpu.memref_slice %arg4[%mul3A_2, %dma_start3A_10] : memref<10240x8xf32, #tpu.memory_space<hbm>> -> memref<640x8xf32, #tpu.memory_space<hbm>>
      tpu.enqueue_dma source(%dma_start3A_11 : memref<640x8xf32, #tpu.memory_space<hbm>>) target(%dma_start3A_9 : memref<640x8xf32, #tpu.memory_space<vmem_shared>>) target_semaphore(%run_scoped3A : memref<!tpu.dma_semaphore, #tpu.memory_space<semaphore_mem>>)
      %dma_wait3A = arith.constant 0 : i32
      %dma_wait3A_12 = tpu.memref_slice %arg8[%mul3A_2, %dma_wait3A] : memref<10240x8xf32, #tpu.memory_space<vmem_shared>> -> memref<640x8xf32, #tpu.memory_space<vmem_shared>>
      %dma_wait3A_13 = arith.constant 0 : i32
      %dma_wait3A_14 = tpu.memref_slice %arg4[%mul3A_2, %dma_wait3A_13] : memref<10240x8xf32, #tpu.memory_space<hbm>> -> memref<640x8xf32, #tpu.memory_space<hbm>>
      tpu.wait_dma2 semaphore(%run_scoped3A : memref<!tpu.dma_semaphore, #tpu.memory_space<semaphore_mem>>) src(%dma_wait3A_14 : memref<640x8xf32, #tpu.memory_space<hbm>>) dst(%dma_wait3A_12 : memref<640x8xf32, #tpu.memory_space<vmem_shared>>)
      tpu.yield
    }) : () -> ()
    "tpu.region"() ({
      %run_scoped3A = tpu.sem_alloc : memref<!tpu.dma_semaphore, #tpu.memory_space<semaphore_mem>>
      %dma_start3A = arith.constant 0 : i32
      %dma_start3A_9 = arith.constant 0 : i32
      %dma_start3A_10 = tpu.memref_slice %arg3[%dma_start3A, %dma_start3A_9] : memref<10240x8xf32, #tpu.memory_space<hbm>> -> memref<128x8xf32, #tpu.memory_space<hbm>>
      %dma_start3A_11 = arith.constant 0 : i32
      %dma_start3A_12 = arith.constant 0 : i32
      %dma_start3A_13 = tpu.memref_slice %arg3[%dma_start3A_11, %dma_start3A_12] : memref<10240x8xf32, #tpu.memory_space<hbm>> -> memref<128x8xf32, #tpu.memory_space<hbm>>
      tpu.enqueue_dma source(%dma_start3A_13 : memref<128x8xf32, #tpu.memory_space<hbm>>) target(%arg7 : memref<128x8xf32, #tpu.memory_space<vmem>>) target_semaphore(%run_scoped3A : memref<!tpu.dma_semaphore, #tpu.memory_space<semaphore_mem>>)
      %dma_wait3A = arith.constant 0 : i32
      %dma_wait3A_14 = arith.constant 0 : i32
      %dma_wait3A_15 = tpu.memref_slice %arg3[%dma_wait3A, %dma_wait3A_14] : memref<10240x8xf32, #tpu.memory_space<hbm>> -> memref<128x8xf32, #tpu.memory_space<hbm>>
      %dma_wait3A_16 = arith.constant 0 : i32
      %dma_wait3A_17 = arith.constant 0 : i32
      %dma_wait3A_18 = tpu.memref_slice %arg3[%dma_wait3A_16, %dma_wait3A_17] : memref<10240x8xf32, #tpu.memory_space<hbm>> -> memref<128x8xf32, #tpu.memory_space<hbm>>
      tpu.wait_dma2 semaphore(%run_scoped3A : memref<!tpu.dma_semaphore, #tpu.memory_space<semaphore_mem>>) src(%dma_wait3A_18 : memref<128x8xf32, #tpu.memory_space<hbm>>) dst(%arg7 : memref<128x8xf32, #tpu.memory_space<vmem>>)
      tpu.yield
    }) : () -> ()
    "tpu.region"() ({
      %run_scoped3A = tpu.sem_alloc : memref<!tpu.dma_semaphore, #tpu.memory_space<semaphore_mem>>
      %dma_start3A = arith.constant 0 : i32
      %dma_start3A_9 = arith.constant 0 : i32
      %dma_start3A_10 = tpu.memref_slice %arg2[%add3A, %dma_start3A, %dma_start3A_9] : memref<32x81x128xi32, #tpu.memory_space<hbm>> -> memref<1x81x128xi32, #tpu.memory_space<hbm>>
      %dma_start3A_11 = tpu.memref_squeeze %dma_start3A_10 : memref<1x81x128xi32, #tpu.memory_space<hbm>> -> memref<81x128xi32, #tpu.memory_space<hbm>>
      %dma_start3A_12 = arith.constant 0 : i32
      %dma_start3A_13 = arith.constant 0 : i32
      %dma_start3A_14 = tpu.memref_slice %arg2[%add3A, %dma_start3A_12, %dma_start3A_13] : memref<32x81x128xi32, #tpu.memory_space<hbm>> -> memref<1x81x128xi32, #tpu.memory_space<hbm>>
      %dma_start3A_15 = tpu.memref_squeeze %dma_start3A_14 : memref<1x81x128xi32, #tpu.memory_space<hbm>> -> memref<81x128xi32, #tpu.memory_space<hbm>>
      tpu.enqueue_dma source(%dma_start3A_15 : memref<81x128xi32, #tpu.memory_space<hbm>>) target(%arg6 : memref<81x128xi32, #tpu.memory_space<vmem>>) target_semaphore(%run_scoped3A : memref<!tpu.dma_semaphore, #tpu.memory_space<semaphore_mem>>)
      %dma_wait3A = arith.constant 0 : i32
      %dma_wait3A_16 = arith.constant 0 : i32
      %dma_wait3A_17 = tpu.memref_slice %arg2[%add3A, %dma_wait3A, %dma_wait3A_16] : memref<32x81x128xi32, #tpu.memory_space<hbm>> -> memref<1x81x128xi32, #tpu.memory_space<hbm>>
      %dma_wait3A_18 = tpu.memref_squeeze %dma_wait3A_17 : memref<1x81x128xi32, #tpu.memory_space<hbm>> -> memref<81x128xi32, #tpu.memory_space<hbm>>
      %dma_wait3A_19 = arith.constant 0 : i32
      %dma_wait3A_20 = arith.constant 0 : i32
      %dma_wait3A_21 = tpu.memref_slice %arg2[%add3A, %dma_wait3A_19, %dma_wait3A_20] : memref<32x81x128xi32, #tpu.memory_space<hbm>> -> memref<1x81x128xi32, #tpu.memory_space<hbm>>
      %dma_wait3A_22 = tpu.memref_squeeze %dma_wait3A_21 : memref<1x81x128xi32, #tpu.memory_space<hbm>> -> memref<81x128xi32, #tpu.memory_space<hbm>>
      tpu.wait_dma2 semaphore(%run_scoped3A : memref<!tpu.dma_semaphore, #tpu.memory_space<semaphore_mem>>) src(%dma_wait3A_22 : memref<81x128xi32, #tpu.memory_space<hbm>>) dst(%arg6 : memref<81x128xi32, #tpu.memory_space<vmem>>)
      tpu.yield
    }) : () -> ()
    %barrier3A = arith.constant 0 : index
    tpu.barrier barrier_id(%barrier3A)
    %scan3A = arith.constant 0 : i32
    %scan3A_3 = arith.constant 0 : i32
    %scan3A_4 = arith.constant 81 : i32
    %scan3A_5 = arith.addi %scan3A_3, %scan3A_4 : i32
    %scan3A_6 = arith.constant 1 : i32
    scf.for %scan3A_9 = %scan3A_3 to %scan3A_5 step %scan3A_6  : i32 {
      "tpu.region"() ({
        %run_scoped3A = tpu.sem_alloc : memref<!tpu.dma_semaphore, #tpu.memory_space<semaphore_mem>>
        %dma_start3A = arith.constant 0 : i32
        %dma_start3A_10 = tpu.memref_slice %arg6[%scan3A_9, %dma_start3A] : memref<81x128xi32, #tpu.memory_space<vmem>> -> memref<1x128xi32, #tpu.memory_space<vmem>>
        %dma_start3A_11 = tpu.memref_squeeze %dma_start3A_10 : memref<1x128xi32, #tpu.memory_space<vmem>> -> memref<128xi32, #tpu.memory_space<vmem>>
        %dma_start3A_12 = arith.constant 0 : i32
        %dma_start3A_13 = arith.constant 0 : i32
        %dma_start3A_14 = tpu.memref_slice %arg8[%dma_start3A_12, %dma_start3A_13] : memref<10240x8xf32, #tpu.memory_space<vmem_shared>> -> memref<10240x8xf32, #tpu.memory_space<vmem_shared>>
        tpu.enqueue_indirect_dma source(%arg7 : memref<128x8xf32, #tpu.memory_space<vmem>>) target(%dma_start3A_14 : memref<10240x8xf32, #tpu.memory_space<vmem_shared>>) offsets(%dma_start3A_11 : memref<128xi32, #tpu.memory_space<vmem>>) semaphore(%run_scoped3A : memref<!tpu.dma_semaphore, #tpu.memory_space<semaphore_mem>>) {add = true}
        %dma_wait3A = arith.constant 0 : i32
        %dma_wait3A_15 = tpu.memref_slice %arg6[%scan3A_9, %dma_wait3A] : memref<81x128xi32, #tpu.memory_space<vmem>> -> memref<1x128xi32, #tpu.memory_space<vmem>>
        %dma_wait3A_16 = tpu.memref_squeeze %dma_wait3A_15 : memref<1x128xi32, #tpu.memory_space<vmem>> -> memref<128xi32, #tpu.memory_space<vmem>>
        %dma_wait3A_17 = arith.constant 0 : i32
        %dma_wait3A_18 = arith.constant 0 : i32
        %dma_wait3A_19 = tpu.memref_slice %arg8[%dma_wait3A_17, %dma_wait3A_18] : memref<10240x8xf32, #tpu.memory_space<vmem_shared>> -> memref<10240x8xf32, #tpu.memory_space<vmem_shared>>
        tpu.wait_indirect_dma semaphore(%run_scoped3A : memref<!tpu.dma_semaphore, #tpu.memory_space<semaphore_mem>>) src(%arg7 : memref<128x8xf32, #tpu.memory_space<vmem>>) dst(%dma_wait3A_19 : memref<10240x8xf32, #tpu.memory_space<vmem_shared>>)
        tpu.yield
      }) : () -> ()
    }
    %scan3A_7 = arith.constant 81 : i32
    %barrier3A_8 = arith.constant 0 : index
    tpu.barrier barrier_id(%barrier3A_8)
    "tpu.region"() ({
      %run_scoped3A = tpu.sem_alloc : memref<!tpu.dma_semaphore, #tpu.memory_space<semaphore_mem>>
      %dma_start3A = arith.constant 0 : i32
      %dma_start3A_9 = tpu.memref_slice %arg5[%arg0, %mul3A_2, %dma_start3A] : memref<2x10240x8xf32, #tpu.memory_space<hbm>> -> memref<1x640x8xf32, #tpu.memory_space<hbm>>
      %dma_start3A_10 = tpu.memref_squeeze %dma_start3A_9 : memref<1x640x8xf32, #tpu.memory_space<hbm>> -> memref<640x8xf32, #tpu.memory_space<hbm>>
      %dma_start3A_11 = arith.constant 0 : i32
      %dma_start3A_12 = tpu.memref_slice %arg8[%mul3A_2, %dma_start3A_11] : memref<10240x8xf32, #tpu.memory_space<vmem_shared>> -> memref<640x8xf32, #tpu.memory_space<vmem_shared>>
      tpu.enqueue_dma source(%dma_start3A_12 : memref<640x8xf32, #tpu.memory_space<vmem_shared>>) target(%dma_start3A_10 : memref<640x8xf32, #tpu.memory_space<hbm>>) target_semaphore(%run_scoped3A : memref<!tpu.dma_semaphore, #tpu.memory_space<semaphore_mem>>)
      %dma_wait3A = arith.constant 0 : i32
      %dma_wait3A_13 = tpu.memref_slice %arg5[%arg0, %mul3A_2, %dma_wait3A] : memref<2x10240x8xf32, #tpu.memory_space<hbm>> -> memref<1x640x8xf32, #tpu.memory_space<hbm>>
      %dma_wait3A_14 = tpu.memref_squeeze %dma_wait3A_13 : memref<1x640x8xf32, #tpu.memory_space<hbm>> -> memref<640x8xf32, #tpu.memory_space<hbm>>
      %dma_wait3A_15 = arith.constant 0 : i32
      %dma_wait3A_16 = tpu.memref_slice %arg8[%mul3A_2, %dma_wait3A_15] : memref<10240x8xf32, #tpu.memory_space<vmem_shared>> -> memref<640x8xf32, #tpu.memory_space<vmem_shared>>
      tpu.wait_dma2 semaphore(%run_scoped3A : memref<!tpu.dma_semaphore, #tpu.memory_space<semaphore_mem>>) src(%dma_wait3A_16 : memref<640x8xf32, #tpu.memory_space<vmem_shared>>) dst(%dma_wait3A_14 : memref<640x8xf32, #tpu.memory_space<hbm>>)
      tpu.yield
    }) : () -> ()
    return
  }
}

#map = affine_map<(d0, d1) -> (0, 0, 0)>
#map1 = affine_map<(d0, d1) -> (0, 0)>
module attributes {stable_mosaic.version = 14 : i64} {
  func.func @k(%arg0: i32, %arg1: i32, %arg2: memref<32x81x128xi32, #tpu.memory_space<hbm>>, %arg3: memref<32x81x128xi32, #tpu.memory_space<hbm>>, %arg4: memref<10000x8xf32, #tpu.memory_space<hbm>>, %arg5: memref<10240x8xf32, #tpu.memory_space<hbm>>, %arg6: memref<2x10240x8xf32, #tpu.memory_space<hbm>>, %arg7: memref<81x128xi32, #tpu.memory_space<vmem>>, %arg8: memref<81x128xi32, #tpu.memory_space<vmem>>, %arg9: memref<128x8xf32, #tpu.memory_space<vmem>>, %arg10: memref<!tpu.dma_semaphore, #tpu.memory_space<semaphore_mem>>, %arg11: memref<10240x8xf32, #tpu.memory_space<vmem_shared>>, %arg12: memref<10240x8xf32, #tpu.memory_space<vmem_shared>>) attributes {dimension_semantics = [#tpu.dimension_semantics<core_parallel>, #tpu.dimension_semantics<subcore_parallel>], iteration_bounds = array<i64: 2, 16>, scalar_prefetch = 0 : i64, scratch_operands = 6 : i64, tpu.core_type = #tpu.core_type<sc_vector_subcore>, window_params = [{transform_indices = #map}, {transform_indices = #map}, {transform_indices = #map1}, {transform_indices = #map1}, {transform_indices = #map}]} {
    %mul3A = arith.constant 16 : i32
    %mul3A_0 = arith.muli %arg0, %mul3A : i32
    %add3A = arith.addi %mul3A_0, %arg1 : i32
    %mul3A_1 = arith.constant 640 : i32
    %mul3A_2 = arith.muli %arg1, %mul3A_1 : i32
    %lt3A = arith.constant 15 : i32
    %lt3A_3 = arith.cmpi slt, %arg1, %lt3A : i32
    %convert_element_type3A = arith.extui %lt3A_3 : i1 to i32
    %cond3A = arith.constant 0 : i32
    %cond3A_4 = arith.cmpi ne, %convert_element_type3A, %cond3A : i32
    scf.if %cond3A_4 {
      "tpu.region"() ({
        %run_scoped3A = tpu.sem_alloc : memref<!tpu.dma_semaphore, #tpu.memory_space<semaphore_mem>>
        %dma_start3A = arith.constant 0 : i32
        %dma_start3A_15 = tpu.memref_slice %arg11[%mul3A_2, %dma_start3A] : memref<10240x8xf32, #tpu.memory_space<vmem_shared>> -> memref<640x8xf32, #tpu.memory_space<vmem_shared>>
        %dma_start3A_16 = arith.constant 0 : i32
        %dma_start3A_17 = tpu.memref_slice %arg4[%mul3A_2, %dma_start3A_16] : memref<10000x8xf32, #tpu.memory_space<hbm>> -> memref<640x8xf32, #tpu.memory_space<hbm>>
        tpu.enqueue_dma source(%dma_start3A_17 : memref<640x8xf32, #tpu.memory_space<hbm>>) target(%dma_start3A_15 : memref<640x8xf32, #tpu.memory_space<vmem_shared>>) target_semaphore(%run_scoped3A : memref<!tpu.dma_semaphore, #tpu.memory_space<semaphore_mem>>)
        %dma_wait3A = arith.constant 0 : i32
        %dma_wait3A_18 = tpu.memref_slice %arg11[%mul3A_2, %dma_wait3A] : memref<10240x8xf32, #tpu.memory_space<vmem_shared>> -> memref<640x8xf32, #tpu.memory_space<vmem_shared>>
        %dma_wait3A_19 = arith.constant 0 : i32
        %dma_wait3A_20 = tpu.memref_slice %arg4[%mul3A_2, %dma_wait3A_19] : memref<10000x8xf32, #tpu.memory_space<hbm>> -> memref<640x8xf32, #tpu.memory_space<hbm>>
        tpu.wait_dma2 semaphore(%run_scoped3A : memref<!tpu.dma_semaphore, #tpu.memory_space<semaphore_mem>>) src(%dma_wait3A_20 : memref<640x8xf32, #tpu.memory_space<hbm>>) dst(%dma_wait3A_18 : memref<640x8xf32, #tpu.memory_space<vmem_shared>>)
        tpu.yield
      }) : () -> ()
    } else {
    }
    %eq3A = arith.constant 15 : i32
    %eq3A_5 = arith.cmpi eq, %arg1, %eq3A : i32
    %convert_element_type3A_6 = arith.extui %eq3A_5 : i1 to i32
    %cond3A_7 = arith.constant 0 : i32
    %cond3A_8 = arith.cmpi ne, %convert_element_type3A_6, %cond3A_7 : i32
    scf.if %cond3A_8 {
      "tpu.region"() ({
        %run_scoped3A = tpu.sem_alloc : memref<!tpu.dma_semaphore, #tpu.memory_space<semaphore_mem>>
        %dma_start3A = arith.constant 9600 : i32
        %dma_start3A_15 = arith.constant 0 : i32
        %dma_start3A_16 = tpu.memref_slice %arg11[%dma_start3A, %dma_start3A_15] : memref<10240x8xf32, #tpu.memory_space<vmem_shared>> -> memref<400x8xf32, #tpu.memory_space<vmem_shared>>
        %dma_start3A_17 = arith.constant 9600 : i32
        %dma_start3A_18 = arith.constant 0 : i32
        %dma_start3A_19 = tpu.memref_slice %arg4[%dma_start3A_17, %dma_start3A_18] : memref<10000x8xf32, #tpu.memory_space<hbm>> -> memref<400x8xf32, #tpu.memory_space<hbm>>
        tpu.enqueue_dma source(%dma_start3A_19 : memref<400x8xf32, #tpu.memory_space<hbm>>) target(%dma_start3A_16 : memref<400x8xf32, #tpu.memory_space<vmem_shared>>) target_semaphore(%run_scoped3A : memref<!tpu.dma_semaphore, #tpu.memory_space<semaphore_mem>>)
        %dma_wait3A = arith.constant 9600 : i32
        %dma_wait3A_20 = arith.constant 0 : i32
        %dma_wait3A_21 = tpu.memref_slice %arg11[%dma_wait3A, %dma_wait3A_20] : memref<10240x8xf32, #tpu.memory_space<vmem_shared>> -> memref<400x8xf32, #tpu.memory_space<vmem_shared>>
        %dma_wait3A_22 = arith.constant 9600 : i32
        %dma_wait3A_23 = arith.constant 0 : i32
        %dma_wait3A_24 = tpu.memref_slice %arg4[%dma_wait3A_22, %dma_wait3A_23] : memref<10000x8xf32, #tpu.memory_space<hbm>> -> memref<400x8xf32, #tpu.memory_space<hbm>>
        tpu.wait_dma2 semaphore(%run_scoped3A : memref<!tpu.dma_semaphore, #tpu.memory_space<semaphore_mem>>) src(%dma_wait3A_24 : memref<400x8xf32, #tpu.memory_space<hbm>>) dst(%dma_wait3A_21 : memref<400x8xf32, #tpu.memory_space<vmem_shared>>)
        tpu.yield
      }) : () -> ()
    } else {
    }
    "tpu.region"() ({
      %run_scoped3A = tpu.sem_alloc : memref<!tpu.dma_semaphore, #tpu.memory_space<semaphore_mem>>
      %dma_start3A = arith.constant 0 : i32
      %dma_start3A_15 = tpu.memref_slice %arg12[%mul3A_2, %dma_start3A] : memref<10240x8xf32, #tpu.memory_space<vmem_shared>> -> memref<640x8xf32, #tpu.memory_space<vmem_shared>>
      %dma_start3A_16 = arith.constant 0 : i32
      %dma_start3A_17 = tpu.memref_slice %arg5[%mul3A_2, %dma_start3A_16] : memref<10240x8xf32, #tpu.memory_space<hbm>> -> memref<640x8xf32, #tpu.memory_space<hbm>>
      tpu.enqueue_dma source(%dma_start3A_17 : memref<640x8xf32, #tpu.memory_space<hbm>>) target(%dma_start3A_15 : memref<640x8xf32, #tpu.memory_space<vmem_shared>>) target_semaphore(%run_scoped3A : memref<!tpu.dma_semaphore, #tpu.memory_space<semaphore_mem>>)
      %dma_wait3A = arith.constant 0 : i32
      %dma_wait3A_18 = tpu.memref_slice %arg12[%mul3A_2, %dma_wait3A] : memref<10240x8xf32, #tpu.memory_space<vmem_shared>> -> memref<640x8xf32, #tpu.memory_space<vmem_shared>>
      %dma_wait3A_19 = arith.constant 0 : i32
      %dma_wait3A_20 = tpu.memref_slice %arg5[%mul3A_2, %dma_wait3A_19] : memref<10240x8xf32, #tpu.memory_space<hbm>> -> memref<640x8xf32, #tpu.memory_space<hbm>>
      tpu.wait_dma2 semaphore(%run_scoped3A : memref<!tpu.dma_semaphore, #tpu.memory_space<semaphore_mem>>) src(%dma_wait3A_20 : memref<640x8xf32, #tpu.memory_space<hbm>>) dst(%dma_wait3A_18 : memref<640x8xf32, #tpu.memory_space<vmem_shared>>)
      tpu.yield
    }) : () -> ()
    "tpu.region"() ({
      %run_scoped3A = tpu.sem_alloc : memref<!tpu.dma_semaphore, #tpu.memory_space<semaphore_mem>>
      %dma_start3A = arith.constant 0 : i32
      %dma_start3A_15 = arith.constant 0 : i32
      %dma_start3A_16 = tpu.memref_slice %arg2[%add3A, %dma_start3A, %dma_start3A_15] : memref<32x81x128xi32, #tpu.memory_space<hbm>> -> memref<1x81x128xi32, #tpu.memory_space<hbm>>
      %dma_start3A_17 = tpu.memref_squeeze %dma_start3A_16 : memref<1x81x128xi32, #tpu.memory_space<hbm>> -> memref<81x128xi32, #tpu.memory_space<hbm>>
      %dma_start3A_18 = arith.constant 0 : i32
      %dma_start3A_19 = arith.constant 0 : i32
      %dma_start3A_20 = tpu.memref_slice %arg2[%add3A, %dma_start3A_18, %dma_start3A_19] : memref<32x81x128xi32, #tpu.memory_space<hbm>> -> memref<1x81x128xi32, #tpu.memory_space<hbm>>
      %dma_start3A_21 = tpu.memref_squeeze %dma_start3A_20 : memref<1x81x128xi32, #tpu.memory_space<hbm>> -> memref<81x128xi32, #tpu.memory_space<hbm>>
      tpu.enqueue_dma source(%dma_start3A_21 : memref<81x128xi32, #tpu.memory_space<hbm>>) target(%arg7 : memref<81x128xi32, #tpu.memory_space<vmem>>) target_semaphore(%run_scoped3A : memref<!tpu.dma_semaphore, #tpu.memory_space<semaphore_mem>>)
      %dma_wait3A = arith.constant 0 : i32
      %dma_wait3A_22 = arith.constant 0 : i32
      %dma_wait3A_23 = tpu.memref_slice %arg2[%add3A, %dma_wait3A, %dma_wait3A_22] : memref<32x81x128xi32, #tpu.memory_space<hbm>> -> memref<1x81x128xi32, #tpu.memory_space<hbm>>
      %dma_wait3A_24 = tpu.memref_squeeze %dma_wait3A_23 : memref<1x81x128xi32, #tpu.memory_space<hbm>> -> memref<81x128xi32, #tpu.memory_space<hbm>>
      %dma_wait3A_25 = arith.constant 0 : i32
      %dma_wait3A_26 = arith.constant 0 : i32
      %dma_wait3A_27 = tpu.memref_slice %arg2[%add3A, %dma_wait3A_25, %dma_wait3A_26] : memref<32x81x128xi32, #tpu.memory_space<hbm>> -> memref<1x81x128xi32, #tpu.memory_space<hbm>>
      %dma_wait3A_28 = tpu.memref_squeeze %dma_wait3A_27 : memref<1x81x128xi32, #tpu.memory_space<hbm>> -> memref<81x128xi32, #tpu.memory_space<hbm>>
      tpu.wait_dma2 semaphore(%run_scoped3A : memref<!tpu.dma_semaphore, #tpu.memory_space<semaphore_mem>>) src(%dma_wait3A_28 : memref<81x128xi32, #tpu.memory_space<hbm>>) dst(%arg7 : memref<81x128xi32, #tpu.memory_space<vmem>>)
      tpu.yield
    }) : () -> ()
    "tpu.region"() ({
      %run_scoped3A = tpu.sem_alloc : memref<!tpu.dma_semaphore, #tpu.memory_space<semaphore_mem>>
      %dma_start3A = arith.constant 0 : i32
      %dma_start3A_15 = arith.constant 0 : i32
      %dma_start3A_16 = tpu.memref_slice %arg3[%add3A, %dma_start3A, %dma_start3A_15] : memref<32x81x128xi32, #tpu.memory_space<hbm>> -> memref<1x81x128xi32, #tpu.memory_space<hbm>>
      %dma_start3A_17 = tpu.memref_squeeze %dma_start3A_16 : memref<1x81x128xi32, #tpu.memory_space<hbm>> -> memref<81x128xi32, #tpu.memory_space<hbm>>
      %dma_start3A_18 = arith.constant 0 : i32
      %dma_start3A_19 = arith.constant 0 : i32
      %dma_start3A_20 = tpu.memref_slice %arg3[%add3A, %dma_start3A_18, %dma_start3A_19] : memref<32x81x128xi32, #tpu.memory_space<hbm>> -> memref<1x81x128xi32, #tpu.memory_space<hbm>>
      %dma_start3A_21 = tpu.memref_squeeze %dma_start3A_20 : memref<1x81x128xi32, #tpu.memory_space<hbm>> -> memref<81x128xi32, #tpu.memory_space<hbm>>
      tpu.enqueue_dma source(%dma_start3A_21 : memref<81x128xi32, #tpu.memory_space<hbm>>) target(%arg8 : memref<81x128xi32, #tpu.memory_space<vmem>>) target_semaphore(%run_scoped3A : memref<!tpu.dma_semaphore, #tpu.memory_space<semaphore_mem>>)
      %dma_wait3A = arith.constant 0 : i32
      %dma_wait3A_22 = arith.constant 0 : i32
      %dma_wait3A_23 = tpu.memref_slice %arg3[%add3A, %dma_wait3A, %dma_wait3A_22] : memref<32x81x128xi32, #tpu.memory_space<hbm>> -> memref<1x81x128xi32, #tpu.memory_space<hbm>>
      %dma_wait3A_24 = tpu.memref_squeeze %dma_wait3A_23 : memref<1x81x128xi32, #tpu.memory_space<hbm>> -> memref<81x128xi32, #tpu.memory_space<hbm>>
      %dma_wait3A_25 = arith.constant 0 : i32
      %dma_wait3A_26 = arith.constant 0 : i32
      %dma_wait3A_27 = tpu.memref_slice %arg3[%add3A, %dma_wait3A_25, %dma_wait3A_26] : memref<32x81x128xi32, #tpu.memory_space<hbm>> -> memref<1x81x128xi32, #tpu.memory_space<hbm>>
      %dma_wait3A_28 = tpu.memref_squeeze %dma_wait3A_27 : memref<1x81x128xi32, #tpu.memory_space<hbm>> -> memref<81x128xi32, #tpu.memory_space<hbm>>
      tpu.wait_dma2 semaphore(%run_scoped3A : memref<!tpu.dma_semaphore, #tpu.memory_space<semaphore_mem>>) src(%dma_wait3A_28 : memref<81x128xi32, #tpu.memory_space<hbm>>) dst(%arg8 : memref<81x128xi32, #tpu.memory_space<vmem>>)
      tpu.yield
    }) : () -> ()
    %barrier3A = arith.constant 0 : index
    tpu.barrier barrier_id(%barrier3A)
    %scan3A = arith.constant 0 : i32
    %scan3A_9 = arith.constant 0 : i32
    %scan3A_10 = arith.constant 81 : i32
    %scan3A_11 = arith.addi %scan3A_9, %scan3A_10 : i32
    %scan3A_12 = arith.constant 1 : i32
    scf.for %scan3A_15 = %scan3A_9 to %scan3A_11 step %scan3A_12  : i32 {
      %dma_start3A = arith.constant 0 : i32
      %dma_start3A_16 = tpu.memref_slice %arg7[%scan3A_15, %dma_start3A] : memref<81x128xi32, #tpu.memory_space<vmem>> -> memref<1x128xi32, #tpu.memory_space<vmem>>
      %dma_start3A_17 = tpu.memref_squeeze %dma_start3A_16 : memref<1x128xi32, #tpu.memory_space<vmem>> -> memref<128xi32, #tpu.memory_space<vmem>>
      %dma_start3A_18 = arith.constant 0 : i32
      %dma_start3A_19 = arith.constant 0 : i32
      %dma_start3A_20 = tpu.memref_slice %arg11[%dma_start3A_18, %dma_start3A_19] : memref<10240x8xf32, #tpu.memory_space<vmem_shared>> -> memref<10240x8xf32, #tpu.memory_space<vmem_shared>>
      tpu.enqueue_indirect_dma source(%dma_start3A_20 : memref<10240x8xf32, #tpu.memory_space<vmem_shared>>) target(%arg9 : memref<128x8xf32, #tpu.memory_space<vmem>>) offsets(%dma_start3A_17 : memref<128xi32, #tpu.memory_space<vmem>>) semaphore(%arg10 : memref<!tpu.dma_semaphore, #tpu.memory_space<semaphore_mem>>)
      %dma_wait3A = arith.constant 0 : i32
      %dma_wait3A_21 = tpu.memref_slice %arg7[%scan3A_15, %dma_wait3A] : memref<81x128xi32, #tpu.memory_space<vmem>> -> memref<1x128xi32, #tpu.memory_space<vmem>>
      %dma_wait3A_22 = tpu.memref_squeeze %dma_wait3A_21 : memref<1x128xi32, #tpu.memory_space<vmem>> -> memref<128xi32, #tpu.memory_space<vmem>>
      %dma_wait3A_23 = arith.constant 0 : i32
      %dma_wait3A_24 = arith.constant 0 : i32
      %dma_wait3A_25 = tpu.memref_slice %arg11[%dma_wait3A_23, %dma_wait3A_24] : memref<10240x8xf32, #tpu.memory_space<vmem_shared>> -> memref<10240x8xf32, #tpu.memory_space<vmem_shared>>
      tpu.wait_indirect_dma semaphore(%arg10 : memref<!tpu.dma_semaphore, #tpu.memory_space<semaphore_mem>>) src(%dma_wait3A_25 : memref<10240x8xf32, #tpu.memory_space<vmem_shared>>) dst(%arg9 : memref<128x8xf32, #tpu.memory_space<vmem>>)
      "tpu.region"() ({
        %run_scoped3A = tpu.sem_alloc : memref<!tpu.dma_semaphore, #tpu.memory_space<semaphore_mem>>
        %dma_start3A_26 = arith.constant 0 : i32
        %dma_start3A_27 = tpu.memref_slice %arg8[%scan3A_15, %dma_start3A_26] : memref<81x128xi32, #tpu.memory_space<vmem>> -> memref<1x128xi32, #tpu.memory_space<vmem>>
        %dma_start3A_28 = tpu.memref_squeeze %dma_start3A_27 : memref<1x128xi32, #tpu.memory_space<vmem>> -> memref<128xi32, #tpu.memory_space<vmem>>
        %dma_start3A_29 = arith.constant 0 : i32
        %dma_start3A_30 = arith.constant 0 : i32
        %dma_start3A_31 = tpu.memref_slice %arg12[%dma_start3A_29, %dma_start3A_30] : memref<10240x8xf32, #tpu.memory_space<vmem_shared>> -> memref<10240x8xf32, #tpu.memory_space<vmem_shared>>
        tpu.enqueue_indirect_dma source(%arg9 : memref<128x8xf32, #tpu.memory_space<vmem>>) target(%dma_start3A_31 : memref<10240x8xf32, #tpu.memory_space<vmem_shared>>) offsets(%dma_start3A_28 : memref<128xi32, #tpu.memory_space<vmem>>) semaphore(%run_scoped3A : memref<!tpu.dma_semaphore, #tpu.memory_space<semaphore_mem>>) {add = true}
        %dma_wait3A_32 = arith.constant 0 : i32
        %dma_wait3A_33 = tpu.memref_slice %arg8[%scan3A_15, %dma_wait3A_32] : memref<81x128xi32, #tpu.memory_space<vmem>> -> memref<1x128xi32, #tpu.memory_space<vmem>>
        %dma_wait3A_34 = tpu.memref_squeeze %dma_wait3A_33 : memref<1x128xi32, #tpu.memory_space<vmem>> -> memref<128xi32, #tpu.memory_space<vmem>>
        %dma_wait3A_35 = arith.constant 0 : i32
        %dma_wait3A_36 = arith.constant 0 : i32
        %dma_wait3A_37 = tpu.memref_slice %arg12[%dma_wait3A_35, %dma_wait3A_36] : memref<10240x8xf32, #tpu.memory_space<vmem_shared>> -> memref<10240x8xf32, #tpu.memory_space<vmem_shared>>
        tpu.wait_indirect_dma semaphore(%run_scoped3A : memref<!tpu.dma_semaphore, #tpu.memory_space<semaphore_mem>>) src(%arg9 : memref<128x8xf32, #tpu.memory_space<vmem>>) dst(%dma_wait3A_37 : memref<10240x8xf32, #tpu.memory_space<vmem_shared>>)
        tpu.yield
      }) : () -> ()
    }
    %scan3A_13 = arith.constant 81 : i32
    %barrier3A_14 = arith.constant 0 : index
    tpu.barrier barrier_id(%barrier3A_14)
    "tpu.region"() ({
      %run_scoped3A = tpu.sem_alloc : memref<!tpu.dma_semaphore, #tpu.memory_space<semaphore_mem>>
      %dma_start3A = arith.constant 0 : i32
      %dma_start3A_15 = tpu.memref_slice %arg6[%arg0, %mul3A_2, %dma_start3A] : memref<2x10240x8xf32, #tpu.memory_space<hbm>> -> memref<1x640x8xf32, #tpu.memory_space<hbm>>
      %dma_start3A_16 = tpu.memref_squeeze %dma_start3A_15 : memref<1x640x8xf32, #tpu.memory_space<hbm>> -> memref<640x8xf32, #tpu.memory_space<hbm>>
      %dma_start3A_17 = arith.constant 0 : i32
      %dma_start3A_18 = tpu.memref_slice %arg12[%mul3A_2, %dma_start3A_17] : memref<10240x8xf32, #tpu.memory_space<vmem_shared>> -> memref<640x8xf32, #tpu.memory_space<vmem_shared>>
      tpu.enqueue_dma source(%dma_start3A_18 : memref<640x8xf32, #tpu.memory_space<vmem_shared>>) target(%dma_start3A_16 : memref<640x8xf32, #tpu.memory_space<hbm>>) target_semaphore(%run_scoped3A : memref<!tpu.dma_semaphore, #tpu.memory_space<semaphore_mem>>)
      %dma_wait3A = arith.constant 0 : i32
      %dma_wait3A_19 = tpu.memref_slice %arg6[%arg0, %mul3A_2, %dma_wait3A] : memref<2x10240x8xf32, #tpu.memory_space<hbm>> -> memref<1x640x8xf32, #tpu.memory_space<hbm>>
      %dma_wait3A_20 = tpu.memref_squeeze %dma_wait3A_19 : memref<1x640x8xf32, #tpu.memory_space<hbm>> -> memref<640x8xf32, #tpu.memory_space<hbm>>
      %dma_wait3A_21 = arith.constant 0 : i32
      %dma_wait3A_22 = tpu.memref_slice %arg12[%mul3A_2, %dma_wait3A_21] : memref<10240x8xf32, #tpu.memory_space<vmem_shared>> -> memref<640x8xf32, #tpu.memory_space<vmem_shared>>
      tpu.wait_dma2 semaphore(%run_scoped3A : memref<!tpu.dma_semaphore, #tpu.memory_space<semaphore_mem>>) src(%dma_wait3A_22 : memref<640x8xf32, #tpu.memory_space<vmem_shared>>) dst(%dma_wait3A_20 : memref<640x8xf32, #tpu.memory_space<hbm>>)
      tpu.yield
    }) : () -> ()
    return
  }
}

#map = affine_map<(d0, d1) -> (0, 0, 0)>
#map1 = affine_map<(d0, d1) -> (0, 0)>
module attributes {stable_mosaic.version = 14 : i64} {
  func.func @k(%arg0: i32, %arg1: i32, %arg2: memref<32x81x128xi32, #tpu.memory_space<hbm>>, %arg3: memref<32x81x128xi32, #tpu.memory_space<hbm>>, %arg4: memref<10000x8xf32, #tpu.memory_space<hbm>>, %arg5: memref<10240x8xf32, #tpu.memory_space<hbm>>, %arg6: memref<2x10240x8xf32, #tpu.memory_space<hbm>>, %arg7: memref<81x128xi32, #tpu.memory_space<vmem>>, %arg8: memref<81x128xi32, #tpu.memory_space<vmem>>, %arg9: memref<128x8xf32, #tpu.memory_space<vmem>>, %arg10: memref<!tpu.dma_semaphore, #tpu.memory_space<semaphore_mem>>, %arg11: memref<10240x8xf32, #tpu.memory_space<vmem_shared>>, %arg12: memref<10240x8xf32, #tpu.memory_space<vmem_shared>>) attributes {dimension_semantics = [#tpu.dimension_semantics<core_parallel>, #tpu.dimension_semantics<subcore_parallel>], iteration_bounds = array<i64: 2, 16>, scalar_prefetch = 0 : i64, scratch_operands = 6 : i64, tpu.core_type = #tpu.core_type<sc_vector_subcore>, window_params = [{transform_indices = #map}, {transform_indices = #map}, {transform_indices = #map1}, {transform_indices = #map1}, {transform_indices = #map}]} {
    %mul3A = arith.constant 16 : i32
    %mul3A_0 = arith.muli %arg0, %mul3A : i32
    %add3A = arith.addi %mul3A_0, %arg1 : i32
    %mul3A_1 = arith.constant 640 : i32
    %mul3A_2 = arith.muli %arg1, %mul3A_1 : i32
    %lt3A = arith.constant 15 : i32
    %lt3A_3 = arith.cmpi slt, %arg1, %lt3A : i32
    %convert_element_type3A = arith.extui %lt3A_3 : i1 to i32
    %cond3A = arith.constant 0 : i32
    %cond3A_4 = arith.cmpi ne, %convert_element_type3A, %cond3A : i32
    scf.if %cond3A_4 {
      "tpu.region"() ({
        %run_scoped3A = tpu.sem_alloc : memref<!tpu.dma_semaphore, #tpu.memory_space<semaphore_mem>>
        %dma_start3A = arith.constant 0 : i32
        %dma_start3A_15 = tpu.memref_slice %arg11[%mul3A_2, %dma_start3A] : memref<10240x8xf32, #tpu.memory_space<vmem_shared>> -> memref<640x8xf32, #tpu.memory_space<vmem_shared>>
        %dma_start3A_16 = arith.constant 0 : i32
        %dma_start3A_17 = tpu.memref_slice %arg4[%mul3A_2, %dma_start3A_16] : memref<10000x8xf32, #tpu.memory_space<hbm>> -> memref<640x8xf32, #tpu.memory_space<hbm>>
        tpu.enqueue_dma source(%dma_start3A_17 : memref<640x8xf32, #tpu.memory_space<hbm>>) target(%dma_start3A_15 : memref<640x8xf32, #tpu.memory_space<vmem_shared>>) target_semaphore(%run_scoped3A : memref<!tpu.dma_semaphore, #tpu.memory_space<semaphore_mem>>)
        %dma_wait3A = arith.constant 0 : i32
        %dma_wait3A_18 = tpu.memref_slice %arg11[%mul3A_2, %dma_wait3A] : memref<10240x8xf32, #tpu.memory_space<vmem_shared>> -> memref<640x8xf32, #tpu.memory_space<vmem_shared>>
        %dma_wait3A_19 = arith.constant 0 : i32
        %dma_wait3A_20 = tpu.memref_slice %arg4[%mul3A_2, %dma_wait3A_19] : memref<10000x8xf32, #tpu.memory_space<hbm>> -> memref<640x8xf32, #tpu.memory_space<hbm>>
        tpu.wait_dma2 semaphore(%run_scoped3A : memref<!tpu.dma_semaphore, #tpu.memory_space<semaphore_mem>>) src(%dma_wait3A_20 : memref<640x8xf32, #tpu.memory_space<hbm>>) dst(%dma_wait3A_18 : memref<640x8xf32, #tpu.memory_space<vmem_shared>>)
        tpu.yield
      }) : () -> ()
    } else {
    }
    %eq3A = arith.constant 15 : i32
    %eq3A_5 = arith.cmpi eq, %arg1, %eq3A : i32
    %convert_element_type3A_6 = arith.extui %eq3A_5 : i1 to i32
    %cond3A_7 = arith.constant 0 : i32
    %cond3A_8 = arith.cmpi ne, %convert_element_type3A_6, %cond3A_7 : i32
    scf.if %cond3A_8 {
      "tpu.region"() ({
        %run_scoped3A = tpu.sem_alloc : memref<!tpu.dma_semaphore, #tpu.memory_space<semaphore_mem>>
        %dma_start3A = arith.constant 9600 : i32
        %dma_start3A_15 = arith.constant 0 : i32
        %dma_start3A_16 = tpu.memref_slice %arg11[%dma_start3A, %dma_start3A_15] : memref<10240x8xf32, #tpu.memory_space<vmem_shared>> -> memref<400x8xf32, #tpu.memory_space<vmem_shared>>
        %dma_start3A_17 = arith.constant 9600 : i32
        %dma_start3A_18 = arith.constant 0 : i32
        %dma_start3A_19 = tpu.memref_slice %arg4[%dma_start3A_17, %dma_start3A_18] : memref<10000x8xf32, #tpu.memory_space<hbm>> -> memref<400x8xf32, #tpu.memory_space<hbm>>
        tpu.enqueue_dma source(%dma_start3A_19 : memref<400x8xf32, #tpu.memory_space<hbm>>) target(%dma_start3A_16 : memref<400x8xf32, #tpu.memory_space<vmem_shared>>) target_semaphore(%run_scoped3A : memref<!tpu.dma_semaphore, #tpu.memory_space<semaphore_mem>>)
        %dma_wait3A = arith.constant 9600 : i32
        %dma_wait3A_20 = arith.constant 0 : i32
        %dma_wait3A_21 = tpu.memref_slice %arg11[%dma_wait3A, %dma_wait3A_20] : memref<10240x8xf32, #tpu.memory_space<vmem_shared>> -> memref<400x8xf32, #tpu.memory_space<vmem_shared>>
        %dma_wait3A_22 = arith.constant 9600 : i32
        %dma_wait3A_23 = arith.constant 0 : i32
        %dma_wait3A_24 = tpu.memref_slice %arg4[%dma_wait3A_22, %dma_wait3A_23] : memref<10000x8xf32, #tpu.memory_space<hbm>> -> memref<400x8xf32, #tpu.memory_space<hbm>>
        tpu.wait_dma2 semaphore(%run_scoped3A : memref<!tpu.dma_semaphore, #tpu.memory_space<semaphore_mem>>) src(%dma_wait3A_24 : memref<400x8xf32, #tpu.memory_space<hbm>>) dst(%dma_wait3A_21 : memref<400x8xf32, #tpu.memory_space<vmem_shared>>)
        tpu.yield
      }) : () -> ()
    } else {
    }
    "tpu.region"() ({
      %run_scoped3A = tpu.sem_alloc : memref<!tpu.dma_semaphore, #tpu.memory_space<semaphore_mem>>
      %dma_start3A = arith.constant 0 : i32
      %dma_start3A_15 = tpu.memref_slice %arg12[%mul3A_2, %dma_start3A] : memref<10240x8xf32, #tpu.memory_space<vmem_shared>> -> memref<640x8xf32, #tpu.memory_space<vmem_shared>>
      %dma_start3A_16 = arith.constant 0 : i32
      %dma_start3A_17 = tpu.memref_slice %arg5[%mul3A_2, %dma_start3A_16] : memref<10240x8xf32, #tpu.memory_space<hbm>> -> memref<640x8xf32, #tpu.memory_space<hbm>>
      tpu.enqueue_dma source(%dma_start3A_17 : memref<640x8xf32, #tpu.memory_space<hbm>>) target(%dma_start3A_15 : memref<640x8xf32, #tpu.memory_space<vmem_shared>>) target_semaphore(%run_scoped3A : memref<!tpu.dma_semaphore, #tpu.memory_space<semaphore_mem>>)
      %dma_wait3A = arith.constant 0 : i32
      %dma_wait3A_18 = tpu.memref_slice %arg12[%mul3A_2, %dma_wait3A] : memref<10240x8xf32, #tpu.memory_space<vmem_shared>> -> memref<640x8xf32, #tpu.memory_space<vmem_shared>>
      %dma_wait3A_19 = arith.constant 0 : i32
      %dma_wait3A_20 = tpu.memref_slice %arg5[%mul3A_2, %dma_wait3A_19] : memref<10240x8xf32, #tpu.memory_space<hbm>> -> memref<640x8xf32, #tpu.memory_space<hbm>>
      tpu.wait_dma2 semaphore(%run_scoped3A : memref<!tpu.dma_semaphore, #tpu.memory_space<semaphore_mem>>) src(%dma_wait3A_20 : memref<640x8xf32, #tpu.memory_space<hbm>>) dst(%dma_wait3A_18 : memref<640x8xf32, #tpu.memory_space<vmem_shared>>)
      tpu.yield
    }) : () -> ()
    "tpu.region"() ({
      %run_scoped3A = tpu.sem_alloc : memref<!tpu.dma_semaphore, #tpu.memory_space<semaphore_mem>>
      %dma_start3A = arith.constant 0 : i32
      %dma_start3A_15 = arith.constant 0 : i32
      %dma_start3A_16 = tpu.memref_slice %arg2[%add3A, %dma_start3A, %dma_start3A_15] : memref<32x81x128xi32, #tpu.memory_space<hbm>> -> memref<1x81x128xi32, #tpu.memory_space<hbm>>
      %dma_start3A_17 = tpu.memref_squeeze %dma_start3A_16 : memref<1x81x128xi32, #tpu.memory_space<hbm>> -> memref<81x128xi32, #tpu.memory_space<hbm>>
      %dma_start3A_18 = arith.constant 0 : i32
      %dma_start3A_19 = arith.constant 0 : i32
      %dma_start3A_20 = tpu.memref_slice %arg2[%add3A, %dma_start3A_18, %dma_start3A_19] : memref<32x81x128xi32, #tpu.memory_space<hbm>> -> memref<1x81x128xi32, #tpu.memory_space<hbm>>
      %dma_start3A_21 = tpu.memref_squeeze %dma_start3A_20 : memref<1x81x128xi32, #tpu.memory_space<hbm>> -> memref<81x128xi32, #tpu.memory_space<hbm>>
      tpu.enqueue_dma source(%dma_start3A_21 : memref<81x128xi32, #tpu.memory_space<hbm>>) target(%arg7 : memref<81x128xi32, #tpu.memory_space<vmem>>) target_semaphore(%run_scoped3A : memref<!tpu.dma_semaphore, #tpu.memory_space<semaphore_mem>>)
      %dma_wait3A = arith.constant 0 : i32
      %dma_wait3A_22 = arith.constant 0 : i32
      %dma_wait3A_23 = tpu.memref_slice %arg2[%add3A, %dma_wait3A, %dma_wait3A_22] : memref<32x81x128xi32, #tpu.memory_space<hbm>> -> memref<1x81x128xi32, #tpu.memory_space<hbm>>
      %dma_wait3A_24 = tpu.memref_squeeze %dma_wait3A_23 : memref<1x81x128xi32, #tpu.memory_space<hbm>> -> memref<81x128xi32, #tpu.memory_space<hbm>>
      %dma_wait3A_25 = arith.constant 0 : i32
      %dma_wait3A_26 = arith.constant 0 : i32
      %dma_wait3A_27 = tpu.memref_slice %arg2[%add3A, %dma_wait3A_25, %dma_wait3A_26] : memref<32x81x128xi32, #tpu.memory_space<hbm>> -> memref<1x81x128xi32, #tpu.memory_space<hbm>>
      %dma_wait3A_28 = tpu.memref_squeeze %dma_wait3A_27 : memref<1x81x128xi32, #tpu.memory_space<hbm>> -> memref<81x128xi32, #tpu.memory_space<hbm>>
      tpu.wait_dma2 semaphore(%run_scoped3A : memref<!tpu.dma_semaphore, #tpu.memory_space<semaphore_mem>>) src(%dma_wait3A_28 : memref<81x128xi32, #tpu.memory_space<hbm>>) dst(%arg7 : memref<81x128xi32, #tpu.memory_space<vmem>>)
      tpu.yield
    }) : () -> ()
    "tpu.region"() ({
      %run_scoped3A = tpu.sem_alloc : memref<!tpu.dma_semaphore, #tpu.memory_space<semaphore_mem>>
      %dma_start3A = arith.constant 0 : i32
      %dma_start3A_15 = arith.constant 0 : i32
      %dma_start3A_16 = tpu.memref_slice %arg3[%add3A, %dma_start3A, %dma_start3A_15] : memref<32x81x128xi32, #tpu.memory_space<hbm>> -> memref<1x81x128xi32, #tpu.memory_space<hbm>>
      %dma_start3A_17 = tpu.memref_squeeze %dma_start3A_16 : memref<1x81x128xi32, #tpu.memory_space<hbm>> -> memref<81x128xi32, #tpu.memory_space<hbm>>
      %dma_start3A_18 = arith.constant 0 : i32
      %dma_start3A_19 = arith.constant 0 : i32
      %dma_start3A_20 = tpu.memref_slice %arg3[%add3A, %dma_start3A_18, %dma_start3A_19] : memref<32x81x128xi32, #tpu.memory_space<hbm>> -> memref<1x81x128xi32, #tpu.memory_space<hbm>>
      %dma_start3A_21 = tpu.memref_squeeze %dma_start3A_20 : memref<1x81x128xi32, #tpu.memory_space<hbm>> -> memref<81x128xi32, #tpu.memory_space<hbm>>
      tpu.enqueue_dma source(%dma_start3A_21 : memref<81x128xi32, #tpu.memory_space<hbm>>) target(%arg8 : memref<81x128xi32, #tpu.memory_space<vmem>>) target_semaphore(%run_scoped3A : memref<!tpu.dma_semaphore, #tpu.memory_space<semaphore_mem>>)
      %dma_wait3A = arith.constant 0 : i32
      %dma_wait3A_22 = arith.constant 0 : i32
      %dma_wait3A_23 = tpu.memref_slice %arg3[%add3A, %dma_wait3A, %dma_wait3A_22] : memref<32x81x128xi32, #tpu.memory_space<hbm>> -> memref<1x81x128xi32, #tpu.memory_space<hbm>>
      %dma_wait3A_24 = tpu.memref_squeeze %dma_wait3A_23 : memref<1x81x128xi32, #tpu.memory_space<hbm>> -> memref<81x128xi32, #tpu.memory_space<hbm>>
      %dma_wait3A_25 = arith.constant 0 : i32
      %dma_wait3A_26 = arith.constant 0 : i32
      %dma_wait3A_27 = tpu.memref_slice %arg3[%add3A, %dma_wait3A_25, %dma_wait3A_26] : memref<32x81x128xi32, #tpu.memory_space<hbm>> -> memref<1x81x128xi32, #tpu.memory_space<hbm>>
      %dma_wait3A_28 = tpu.memref_squeeze %dma_wait3A_27 : memref<1x81x128xi32, #tpu.memory_space<hbm>> -> memref<81x128xi32, #tpu.memory_space<hbm>>
      tpu.wait_dma2 semaphore(%run_scoped3A : memref<!tpu.dma_semaphore, #tpu.memory_space<semaphore_mem>>) src(%dma_wait3A_28 : memref<81x128xi32, #tpu.memory_space<hbm>>) dst(%arg8 : memref<81x128xi32, #tpu.memory_space<vmem>>)
      tpu.yield
    }) : () -> ()
    %barrier3A = arith.constant 0 : index
    tpu.barrier barrier_id(%barrier3A)
    %scan3A = arith.constant 0 : i32
    %scan3A_9 = arith.constant 0 : i32
    %scan3A_10 = arith.constant 81 : i32
    %scan3A_11 = arith.addi %scan3A_9, %scan3A_10 : i32
    %scan3A_12 = arith.constant 1 : i32
    scf.for %scan3A_15 = %scan3A_9 to %scan3A_11 step %scan3A_12  : i32 {
      %dma_start3A = arith.constant 0 : i32
      %dma_start3A_16 = tpu.memref_slice %arg7[%scan3A_15, %dma_start3A] : memref<81x128xi32, #tpu.memory_space<vmem>> -> memref<1x128xi32, #tpu.memory_space<vmem>>
      %dma_start3A_17 = tpu.memref_squeeze %dma_start3A_16 : memref<1x128xi32, #tpu.memory_space<vmem>> -> memref<128xi32, #tpu.memory_space<vmem>>
      %dma_start3A_18 = arith.constant 0 : i32
      %dma_start3A_19 = arith.constant 0 : i32
      %dma_start3A_20 = tpu.memref_slice %arg11[%dma_start3A_18, %dma_start3A_19] : memref<10240x8xf32, #tpu.memory_space<vmem_shared>> -> memref<10240x8xf32, #tpu.memory_space<vmem_shared>>
      tpu.enqueue_indirect_dma source(%dma_start3A_20 : memref<10240x8xf32, #tpu.memory_space<vmem_shared>>) target(%arg9 : memref<128x8xf32, #tpu.memory_space<vmem>>) offsets(%dma_start3A_17 : memref<128xi32, #tpu.memory_space<vmem>>) semaphore(%arg10 : memref<!tpu.dma_semaphore, #tpu.memory_space<semaphore_mem>>)
      %dma_wait3A = arith.constant 0 : i32
      %dma_wait3A_21 = tpu.memref_slice %arg7[%scan3A_15, %dma_wait3A] : memref<81x128xi32, #tpu.memory_space<vmem>> -> memref<1x128xi32, #tpu.memory_space<vmem>>
      %dma_wait3A_22 = tpu.memref_squeeze %dma_wait3A_21 : memref<1x128xi32, #tpu.memory_space<vmem>> -> memref<128xi32, #tpu.memory_space<vmem>>
      %dma_wait3A_23 = arith.constant 0 : i32
      %dma_wait3A_24 = arith.constant 0 : i32
      %dma_wait3A_25 = tpu.memref_slice %arg11[%dma_wait3A_23, %dma_wait3A_24] : memref<10240x8xf32, #tpu.memory_space<vmem_shared>> -> memref<10240x8xf32, #tpu.memory_space<vmem_shared>>
      tpu.wait_indirect_dma semaphore(%arg10 : memref<!tpu.dma_semaphore, #tpu.memory_space<semaphore_mem>>) src(%dma_wait3A_25 : memref<10240x8xf32, #tpu.memory_space<vmem_shared>>) dst(%arg9 : memref<128x8xf32, #tpu.memory_space<vmem>>)
      "tpu.region"() ({
        %run_scoped3A = tpu.sem_alloc : memref<!tpu.dma_semaphore, #tpu.memory_space<semaphore_mem>>
        %dma_start3A_26 = arith.constant 0 : i32
        %dma_start3A_27 = tpu.memref_slice %arg8[%scan3A_15, %dma_start3A_26] : memref<81x128xi32, #tpu.memory_space<vmem>> -> memref<1x128xi32, #tpu.memory_space<vmem>>
        %dma_start3A_28 = tpu.memref_squeeze %dma_start3A_27 : memref<1x128xi32, #tpu.memory_space<vmem>> -> memref<128xi32, #tpu.memory_space<vmem>>
        %dma_start3A_29 = arith.constant 0 : i32
        %dma_start3A_30 = arith.constant 0 : i32
        %dma_start3A_31 = tpu.memref_slice %arg12[%dma_start3A_29, %dma_start3A_30] : memref<10240x8xf32, #tpu.memory_space<vmem_shared>> -> memref<10240x8xf32, #tpu.memory_space<vmem_shared>>
        tpu.enqueue_indirect_dma source(%arg9 : memref<128x8xf32, #tpu.memory_space<vmem>>) target(%dma_start3A_31 : memref<10240x8xf32, #tpu.memory_space<vmem_shared>>) offsets(%dma_start3A_28 : memref<128xi32, #tpu.memory_space<vmem>>) semaphore(%run_scoped3A : memref<!tpu.dma_semaphore, #tpu.memory_space<semaphore_mem>>) {add = true}
        %dma_wait3A_32 = arith.constant 0 : i32
        %dma_wait3A_33 = tpu.memref_slice %arg8[%scan3A_15, %dma_wait3A_32] : memref<81x128xi32, #tpu.memory_space<vmem>> -> memref<1x128xi32, #tpu.memory_space<vmem>>
        %dma_wait3A_34 = tpu.memref_squeeze %dma_wait3A_33 : memref<1x128xi32, #tpu.memory_space<vmem>> -> memref<128xi32, #tpu.memory_space<vmem>>
        %dma_wait3A_35 = arith.constant 0 : i32
        %dma_wait3A_36 = arith.constant 0 : i32
        %dma_wait3A_37 = tpu.memref_slice %arg12[%dma_wait3A_35, %dma_wait3A_36] : memref<10240x8xf32, #tpu.memory_space<vmem_shared>> -> memref<10240x8xf32, #tpu.memory_space<vmem_shared>>
        tpu.wait_indirect_dma semaphore(%run_scoped3A : memref<!tpu.dma_semaphore, #tpu.memory_space<semaphore_mem>>) src(%arg9 : memref<128x8xf32, #tpu.memory_space<vmem>>) dst(%dma_wait3A_37 : memref<10240x8xf32, #tpu.memory_space<vmem_shared>>)
        tpu.yield
      }) : () -> ()
    }
    %scan3A_13 = arith.constant 81 : i32
    %barrier3A_14 = arith.constant 0 : index
    tpu.barrier barrier_id(%barrier3A_14)
    "tpu.region"() ({
      %run_scoped3A = tpu.sem_alloc : memref<!tpu.dma_semaphore, #tpu.memory_space<semaphore_mem>>
      %dma_start3A = arith.constant 0 : i32
      %dma_start3A_15 = tpu.memref_slice %arg6[%arg0, %mul3A_2, %dma_start3A] : memref<2x10240x8xf32, #tpu.memory_space<hbm>> -> memref<1x640x8xf32, #tpu.memory_space<hbm>>
      %dma_start3A_16 = tpu.memref_squeeze %dma_start3A_15 : memref<1x640x8xf32, #tpu.memory_space<hbm>> -> memref<640x8xf32, #tpu.memory_space<hbm>>
      %dma_start3A_17 = arith.constant 0 : i32
      %dma_start3A_18 = tpu.memref_slice %arg12[%mul3A_2, %dma_start3A_17] : memref<10240x8xf32, #tpu.memory_space<vmem_shared>> -> memref<640x8xf32, #tpu.memory_space<vmem_shared>>
      tpu.enqueue_dma source(%dma_start3A_18 : memref<640x8xf32, #tpu.memory_space<vmem_shared>>) target(%dma_start3A_16 : memref<640x8xf32, #tpu.memory_space<hbm>>) target_semaphore(%run_scoped3A : memref<!tpu.dma_semaphore, #tpu.memory_space<semaphore_mem>>)
      %dma_wait3A = arith.constant 0 : i32
      %dma_wait3A_19 = tpu.memref_slice %arg6[%arg0, %mul3A_2, %dma_wait3A] : memref<2x10240x8xf32, #tpu.memory_space<hbm>> -> memref<1x640x8xf32, #tpu.memory_space<hbm>>
      %dma_wait3A_20 = tpu.memref_squeeze %dma_wait3A_19 : memref<1x640x8xf32, #tpu.memory_space<hbm>> -> memref<640x8xf32, #tpu.memory_space<hbm>>
      %dma_wait3A_21 = arith.constant 0 : i32
      %dma_wait3A_22 = tpu.memref_slice %arg12[%mul3A_2, %dma_wait3A_21] : memref<10240x8xf32, #tpu.memory_space<vmem_shared>> -> memref<640x8xf32, #tpu.memory_space<vmem_shared>>
      tpu.wait_dma2 semaphore(%run_scoped3A : memref<!tpu.dma_semaphore, #tpu.memory_space<semaphore_mem>>) src(%dma_wait3A_22 : memref<640x8xf32, #tpu.memory_space<vmem_shared>>) dst(%dma_wait3A_20 : memref<640x8xf32, #tpu.memory_space<hbm>>)
      tpu.yield
    }) : () -> ()
    return
  }
}

module attributes {stable_mosaic.version = 14 : i64} {
  func.func @body(%arg0: i32, %arg1: memref<2x1000x8xf32, #tpu.memory_space<vmem>>, %arg2: memref<1000x8xf32, #tpu.memory_space<vmem>>, %arg3: memref<1x8xf32, #tpu.memory_space<vmem>>, %arg4: memref<1000x8xf32, #tpu.memory_space<vmem>>) attributes {dimension_semantics = [#tpu.dimension_semantics<arbitrary>], iteration_bounds = array<i64: 10>, scalar_prefetch = 0 : i64, scratch_operands = 0 : i64, tpu.core_type = #tpu.core_type<tc>, window_params = [{transform_indices = @transform_0, window_bounds = array<i64: 2, 1000, 8>}, {transform_indices = @transform_1, window_bounds = array<i64: 1000, 8>}, {pipeline_mode = #tpu.pipeline_mode<synchronous>, transform_indices = @transform_2, window_bounds = array<i64: 1, 8>}, {transform_indices = @transform_3, window_bounds = array<i64: 1000, 8>}]} {
    %get3A = arith.constant 0 : index
    %get3A_0 = arith.constant 0 : index
    %get3A_1 = arith.constant 0 : index
    %get3A_2 = vector.load %arg1[%get3A, %get3A_0, %get3A_1] : memref<2x1000x8xf32, #tpu.memory_space<vmem>>, vector<1x1000x8xf32>
    %get3A_3 = vector.shape_cast %get3A_2 : vector<1x1000x8xf32> to vector<1000x8xf32>
    %get3A_4 = arith.constant 1 : index
    %get3A_5 = arith.constant 0 : index
    %get3A_6 = arith.constant 0 : index
    %get3A_7 = vector.load %arg1[%get3A_4, %get3A_5, %get3A_6] : memref<2x1000x8xf32, #tpu.memory_space<vmem>>, vector<1x1000x8xf32>
    %get3A_8 = vector.shape_cast %get3A_7 : vector<1x1000x8xf32> to vector<1000x8xf32>
    %add3A = arith.addf %get3A_3, %get3A_8 : vector<1000x8xf32>
    %get3A_9 = arith.constant 0 : index
    %get3A_10 = arith.constant 0 : index
    %get3A_11 = vector.load %arg2[%get3A_9, %get3A_10] : memref<1000x8xf32, #tpu.memory_space<vmem>>, vector<1000x8xf32>
    %mul3A = arith.mulf %add3A, %get3A_11 : vector<1000x8xf32>
    %get3A_12 = arith.constant 0 : index
    %get3A_13 = arith.constant 0 : index
    %get3A_14 = vector.load %arg3[%get3A_12, %get3A_13] : memref<1x8xf32, #tpu.memory_space<vmem>>, vector<1x8xf32>
    %add3A_15 = vector.broadcast %get3A_14 : vector<1x8xf32> to vector<1000x8xf32>
    %add3A_16 = arith.addf %mul3A, %add3A_15 : vector<1000x8xf32>
    %max3A = arith.constant 0.000000e+00 : f32
    %max3A_17 = vector.broadcast %max3A : f32 to vector<1000x8xf32>
    %max3A_18 = arith.maximumf %add3A_16, %max3A_17 : vector<1000x8xf32>
    %mul3A_19 = arith.mulf %max3A_18, %get3A_11 : vector<1000x8xf32>
    %swap3A = arith.constant 0 : index
    %swap3A_20 = arith.constant 0 : index
    %swap3A_21 = vector.load %arg4[%swap3A, %swap3A_20] : memref<1000x8xf32, #tpu.memory_space<vmem>>, vector<1000x8xf32>
    tpu.vector_store %arg4[%swap3A, %swap3A_20], %mul3A_19 {strides = array<i32>} : memref<1000x8xf32, #tpu.memory_space<vmem>>, vector<1000x8xf32>,
    return
  }
  func.func @transform_0(%arg0: i32) -> (i32, i32, i32) {
    %c0_i32 = arith.constant 0 : i32
    %c0_i32_0 = arith.constant 0 : i32
    %c0_i32_1 = arith.constant 0 : i32
    return %c0_i32, %arg0, %c0_i32_0 : i32, i32, i32
  }
  func.func @transform_1(%arg0: i32) -> (i32, i32) {
    %c0_i32 = arith.constant 0 : i32
    %c0_i32_0 = arith.constant 0 : i32
    return %arg0, %c0_i32 : i32, i32
  }
  func.func @transform_2(%arg0: i32) -> (i32, i32) {
    %c0_i32 = arith.constant 0 : i32
    %c0_i32_0 = arith.constant 0 : i32
    %c0_i32_1 = arith.constant 0 : i32
    return %c0_i32, %c0_i32_0 : i32, i32
  }
  func.func @transform_3(%arg0: i32) -> (i32, i32) {
    %c0_i32 = arith.constant 0 : i32
    %c0_i32_0 = arith.constant 0 : i32
    return %arg0, %c0_i32 : i32, i32
  }
}

module attributes {stable_mosaic.version = 14 : i64} {
  func.func @body(%arg0: i32, %arg1: memref<1000x128xf32, #tpu.memory_space<vmem>>, %arg2: memref<128x8xf32, #tpu.memory_space<vmem>>, %arg3: memref<2x1000x8xf32, #tpu.memory_space<vmem>>, %arg4: memref<1000x8xf32, #tpu.memory_space<vmem>>, %arg5: memref<1000x8xf32, #tpu.memory_space<vmem>>) attributes {dimension_semantics = [#tpu.dimension_semantics<arbitrary>], iteration_bounds = array<i64: 10>, scalar_prefetch = 0 : i64, scratch_operands = 0 : i64, tpu.core_type = #tpu.core_type<tc>, window_params = [{transform_indices = @transform_0, window_bounds = array<i64: 1000, 128>}, {pipeline_mode = #tpu.pipeline_mode<synchronous>, transform_indices = @transform_1, window_bounds = array<i64: 128, 8>}, {transform_indices = @transform_2, window_bounds = array<i64: 2, 1000, 8>}, {transform_indices = @transform_3, window_bounds = array<i64: 1000, 8>}, {transform_indices = @transform_4, window_bounds = array<i64: 1000, 8>}]} {
    %get3A = arith.constant 0 : index
    %get3A_0 = arith.constant 0 : index
    %get3A_1 = arith.constant 0 : index
    %get3A_2 = vector.load %arg3[%get3A, %get3A_0, %get3A_1] : memref<2x1000x8xf32, #tpu.memory_space<vmem>>, vector<1x1000x8xf32>
    %get3A_3 = vector.shape_cast %get3A_2 : vector<1x1000x8xf32> to vector<1000x8xf32>
    %get3A_4 = arith.constant 1 : index
    %get3A_5 = arith.constant 0 : index
    %get3A_6 = arith.constant 0 : index
    %get3A_7 = vector.load %arg3[%get3A_4, %get3A_5, %get3A_6] : memref<2x1000x8xf32, #tpu.memory_space<vmem>>, vector<1x1000x8xf32>
    %get3A_8 = vector.shape_cast %get3A_7 : vector<1x1000x8xf32> to vector<1000x8xf32>
    %add3A = arith.addf %get3A_3, %get3A_8 : vector<1000x8xf32>
    %rsqrt3A = math.rsqrt %add3A : vector<1000x8xf32>
    %get3A_9 = arith.constant 0 : index
    %get3A_10 = arith.constant 0 : index
    %get3A_11 = vector.load %arg1[%get3A_9, %get3A_10] : memref<1000x128xf32, #tpu.memory_space<vmem>>, vector<1000x128xf32>
    %get3A_12 = arith.constant 0 : index
    %get3A_13 = arith.constant 0 : index
    %get3A_14 = vector.load %arg2[%get3A_12, %get3A_13] : memref<128x8xf32, #tpu.memory_space<vmem>>, vector<128x8xf32>
    %dot_general3A = arith.constant dense<0.000000e+00> : vector<1000x8xf32>
    %dot_general3A_15 = tpu.matmul %get3A_11, %get3A_14, %dot_general3A {dimension_numbers = #tpu.dot_dimension_numbers<[1], [0], [0], [1], [0, 0, 1, 1], [], []>, transpose_lhs_hint = false} : vector<1000x128xf32>, vector<128x8xf32>, vector<1000x8xf32> -> vector<1000x8xf32>
    %mul3A = arith.mulf %dot_general3A_15, %rsqrt3A : vector<1000x8xf32>
    %swap3A = arith.constant 0 : index
    %swap3A_16 = arith.constant 0 : index
    %swap3A_17 = vector.load %arg4[%swap3A, %swap3A_16] : memref<1000x8xf32, #tpu.memory_space<vmem>>, vector<1000x8xf32>
    tpu.vector_store %arg4[%swap3A, %swap3A_16], %mul3A {strides = array<i32>} : memref<1000x8xf32, #tpu.memory_space<vmem>>, vector<1000x8xf32>,
    %swap3A_18 = arith.constant 0 : index
    %swap3A_19 = arith.constant 0 : index
    %swap3A_20 = vector.load %arg5[%swap3A_18, %swap3A_19] : memref<1000x8xf32, #tpu.memory_space<vmem>>, vector<1000x8xf32>
    tpu.vector_store %arg5[%swap3A_18, %swap3A_19], %rsqrt3A {strides = array<i32>} : memref<1000x8xf32, #tpu.memory_space<vmem>>, vector<1000x8xf32>,
    return
  }
  func.func @transform_0(%arg0: i32) -> (i32, i32) {
    %c0_i32 = arith.constant 0 : i32
    %c0_i32_0 = arith.constant 0 : i32
    return %arg0, %c0_i32 : i32, i32
  }
  func.func @transform_1(%arg0: i32) -> (i32, i32) {
    %c0_i32 = arith.constant 0 : i32
    %c0_i32_0 = arith.constant 0 : i32
    %c0_i32_1 = arith.constant 0 : i32
    return %c0_i32, %c0_i32_0 : i32, i32
  }
  func.func @transform_2(%arg0: i32) -> (i32, i32, i32) {
    %c0_i32 = arith.constant 0 : i32
    %c0_i32_0 = arith.constant 0 : i32
    %c0_i32_1 = arith.constant 0 : i32
    return %c0_i32, %arg0, %c0_i32_0 : i32, i32, i32
  }
  func.func @transform_3(%arg0: i32) -> (i32, i32) {
    %c0_i32 = arith.constant 0 : i32
    %c0_i32_0 = arith.constant 0 : i32
    return %arg0, %c0_i32 : i32, i32
  }
  func.func @transform_4(%arg0: i32) -> (i32, i32) {
    %c0_i32 = arith.constant 0 : i32
    %c0_i32_0 = arith.constant 0 : i32
    return %arg0, %c0_i32 : i32, i32
  }
}

module attributes {stable_mosaic.version = 14 : i64} {
  func.func @body(%arg0: i32, %arg1: memref<2x1000x8xf32, #tpu.memory_space<vmem>>, %arg2: memref<1000x8xf32, #tpu.memory_space<vmem>>, %arg3: memref<8x128xf32, #tpu.memory_space<vmem>>, %arg4: memref<1x128xf32, #tpu.memory_space<vmem>>, %arg5: memref<1000x128xf32, #tpu.memory_space<vmem>>) attributes {dimension_semantics = [#tpu.dimension_semantics<arbitrary>], iteration_bounds = array<i64: 10>, scalar_prefetch = 0 : i64, scratch_operands = 0 : i64, tpu.core_type = #tpu.core_type<tc>, window_params = [{transform_indices = @transform_0, window_bounds = array<i64: 2, 1000, 8>}, {transform_indices = @transform_1, window_bounds = array<i64: 1000, 8>}, {pipeline_mode = #tpu.pipeline_mode<synchronous>, transform_indices = @transform_2, window_bounds = array<i64: 8, 128>}, {pipeline_mode = #tpu.pipeline_mode<synchronous>, transform_indices = @transform_3, window_bounds = array<i64: 1, 128>}, {transform_indices = @transform_4, window_bounds = array<i64: 1000, 128>}]} {
    %get3A = arith.constant 0 : index
    %get3A_0 = arith.constant 0 : index
    %get3A_1 = arith.constant 0 : index
    %get3A_2 = vector.load %arg1[%get3A, %get3A_0, %get3A_1] : memref<2x1000x8xf32, #tpu.memory_space<vmem>>, vector<1x1000x8xf32>
    %get3A_3 = vector.shape_cast %get3A_2 : vector<1x1000x8xf32> to vector<1000x8xf32>
    %get3A_4 = arith.constant 1 : index
    %get3A_5 = arith.constant 0 : index
    %get3A_6 = arith.constant 0 : index
    %get3A_7 = vector.load %arg1[%get3A_4, %get3A_5, %get3A_6] : memref<2x1000x8xf32, #tpu.memory_space<vmem>>, vector<1x1000x8xf32>
    %get3A_8 = vector.shape_cast %get3A_7 : vector<1x1000x8xf32> to vector<1000x8xf32>
    %add3A = arith.addf %get3A_3, %get3A_8 : vector<1000x8xf32>
    %get3A_9 = arith.constant 0 : index
    %get3A_10 = arith.constant 0 : index
    %get3A_11 = vector.load %arg2[%get3A_9, %get3A_10] : memref<1000x8xf32, #tpu.memory_space<vmem>>, vector<1000x8xf32>
    %mul3A = arith.mulf %add3A, %get3A_11 : vector<1000x8xf32>
    %get3A_12 = arith.constant 0 : index
    %get3A_13 = arith.constant 0 : index
    %get3A_14 = vector.load %arg3[%get3A_12, %get3A_13] : memref<8x128xf32, #tpu.memory_space<vmem>>, vector<8x128xf32>
    %dot_general3A = arith.constant dense<0.000000e+00> : vector<1000x128xf32>
    %dot_general3A_15 = tpu.matmul %mul3A, %get3A_14, %dot_general3A {dimension_numbers = #tpu.dot_dimension_numbers<[1], [0], [0], [1], [0, 0, 1, 1], [], []>, transpose_lhs_hint = false} : vector<1000x8xf32>, vector<8x128xf32>, vector<1000x128xf32> -> vector<1000x128xf32>
    %get3A_16 = arith.constant 0 : index
    %get3A_17 = arith.constant 0 : index
    %get3A_18 = vector.load %arg4[%get3A_16, %get3A_17] : memref<1x128xf32, #tpu.memory_space<vmem>>, vector<1x128xf32>
    %add3A_19 = vector.broadcast %get3A_18 : vector<1x128xf32> to vector<1000x128xf32>
    %add3A_20 = arith.addf %dot_general3A_15, %add3A_19 : vector<1000x128xf32>
    %swap3A = arith.constant 0 : index
    %swap3A_21 = arith.constant 0 : index
    %swap3A_22 = vector.load %arg5[%swap3A, %swap3A_21] : memref<1000x128xf32, #tpu.memory_space<vmem>>, vector<1000x128xf32>
    tpu.vector_store %arg5[%swap3A, %swap3A_21], %add3A_20 {strides = array<i32>} : memref<1000x128xf32, #tpu.memory_space<vmem>>, vector<1000x128xf32>,
    return
  }
  func.func @transform_0(%arg0: i32) -> (i32, i32, i32) {
    %c0_i32 = arith.constant 0 : i32
    %c0_i32_0 = arith.constant 0 : i32
    %c0_i32_1 = arith.constant 0 : i32
    return %c0_i32, %arg0, %c0_i32_0 : i32, i32, i32
  }
  func.func @transform_1(%arg0: i32) -> (i32, i32) {
    %c0_i32 = arith.constant 0 : i32
    %c0_i32_0 = arith.constant 0 : i32
    return %arg0, %c0_i32 : i32, i32
  }
  func.func @transform_2(%arg0: i32) -> (i32, i32) {
    %c0_i32 = arith.constant 0 : i32
    %c0_i32_0 = arith.constant 0 : i32
    %c0_i32_1 = arith.constant 0 : i32
    return %c0_i32, %c0_i32_0 : i32, i32
  }
  func.func @transform_3(%arg0: i32) -> (i32, i32) {
    %c0_i32 = arith.constant 0 : i32
    %c0_i32_0 = arith.constant 0 : i32
    %c0_i32_1 = arith.constant 0 : i32
    return %c0_i32, %c0_i32_0 : i32, i32
  }
  func.func @transform_4(%arg0: i32) -> (i32, i32) {
    %c0_i32 = arith.constant 0 : i32
    %c0_i32_0 = arith.constant 0 : i32
    return %arg0, %c0_i32 : i32, i32
  }
}

</mosaic_0001>

<sc_bundles>
// kernel: kernel.11.cloned.1.call-start
scs
__scs_entry_jumppad:
0x0: {  	(pc) =	sbr.rel $0x88, $3  }
0x1: {  	(tag) =	ssettag $0x0;
	lr =	simm.s32 $0x1  }
0x2: {  	[smem:$0x3F9B] =	sst lr;
	_ =	strace $0xD0000000  }
0x3: {  	_ = 	snop  }
0x4: {  	_ = 	snop  }
0x5: {  	_ = 	snop  }
0x6: {  	_ = 	snop  }
0x7: {  	_ = 	snop  }
__scs_overlays_trampoline_lowered:
0x8: {  	[smem:$0x3FAA] =	sst s0  }
0x9: {  	[smem:$0x3FAB] =	sst s1  }
0xa: {  	[smem:$0x3FAC] =	sst s2  }
0xb: {  	[smem:$0x3FAD] =	sst s3  }
0xc: {  	[smem:$0x3FAE] =	sst s4  }
0xd: {  	[smem:$0x3FAF] =	sst s5  }
0xe: {  	[smem:$0x3FB0] =	sst s6  }
0xf: {  	[smem:$0x3FB1] =	sst s7  }
0x10: {  	[smem:$0x3FB2] =	sst s8  }
0x11: {  	[smem:$0x3FB3] =	sst s9;
	s0 =	simm.s32 @!p0 $0x0  }
0x12: {  	s1 =	sld [smem:$0x3F99];
	s0 =	simm.s32 @p0 $0x1  }
0x13: {  	[smem:$0x3FB4] =	sst s0;
	s0 =	simm.s32 @!p1 $0x0  }
0x14: {  	s2 =	sld [smem:$0x3F98];
	s0 =	simm.s32 @p1 $0x1  }
0x15: {  	[smem:$0x3FB5] =	sst s0;
	s0 =	simm.s32 @!p2 $0x0  }
0x16: {  	s3 =	sld [smem:$0x3FDB];
	s0 =	simm.s32 @p2 $0x1  }
0x17: {  	s4 =	simm.s32 $0x1BF5;
	[smem:$0x3FB7] =	sst s0  }
0x18: {  	s0 =	sld [smem:$0x3F9A];
	_ =	swait.ge [sflag:s4], $0x0  }
0x19: {  	s7 =	sld [smem:$0x3F9B]  }
0x1a: {  	s8 =	sadd.s32 $0xFFFFE003, lr  }
0x1b: {  	s9 =	sadd.s32 $0xFFFFFEF7, lr;
	s5 =	simm.s32 $0xFFFFFFFF;
	p2 =	slt.u32 s8, $0xFFFFF086  }
0x1c: {  	p1 =	slt.u32 s9, $0xF7A;
	s5 =	simm.s32 @!p2 $0x0  }
0x1d: {  	s5 =	simm.s32 @p1 $0x1;
	p0 =	seq.s32 s7, s2  }
0x1e: {  	s7 =	smul.u32 @!p0 $0xF7A, s2;
	p2 =	seq.s32 @!p0 s5, $0x0  }
0x1f: {  	s9 =	smul.u32 $0xF7A, s1;
	s8 =	simm.s32 @!p0 $0x1BF5;
	p2 =	por !p2, p0  }
0x20: {  	[sflag:s8] =	ssyncset.s32 @!p0 $0xFFFFF086;
	s6 =	sadd.s32 @!p0 s3, s7;
	s7 =	simm.s32 @!p0 $0x108  }
0x21: {  	s3 =	sadd.s32 s3, s9;
	s6 =	sadd.s32 @!p0 $0x88, s6;
	s7 =	simm.s32 @p2 $0x1082  }
0x22: {  	[simem:s7], [sflag:s8] =	dma.local @!p0 [hbm:s6], $0xF7A  }
0x23: {  	s9 =	sor.u32 $0xD0000000, s2;
	s6 =	simm.s32 $0x108;
	_ =	swait.ge @!p0 [sflag:s8], $0x0  }
0x24: {  	s3 =	sadd.s32 $0x88, s3;
	s6 =	simm.s32 @!p1 $0x1082;
	[sflag:s4] =	ssyncset.s32 $0xFFFFF086  }
0x25: {  	[simem:s6], [sflag:s4] =	dma.local [hbm:s3], $0xF7A  }
0x26: {  	[smem:$0x3F9B] =	sst s1;
	(tag) =	ssettag s2;
	_ =	strace s9  }
0x27: {  	s1 =	sld [smem:$0x3FAB]  }
0x28: {  	s2 =	sld [smem:$0x3FAC]  }
0x29: {  	s4 =	sld [smem:$0x3FAE]  }
0x2a: {  	p0 =	seq.s32 s5, $0x0;
	s5 =	sld [smem:$0x3FAF]  }
0x2b: {  	s6 =	sld [smem:$0x3FB0]  }
0x2c: {  	s7 =	sld [smem:$0x3FB1]  }
0x2d: {  	s3 =	simm.s32 $0x108;
	s8 =	sld [smem:$0x3FB2]  }
0x2e: {  	s3 =	simm.s32 @!p0 $0x1082;
	s9 =	sld [smem:$0x3FB3]  }
0x2f: {  	lr =	sadd.s32 s0, s3;
	s0 =	sld [smem:$0x3FAA]  }
0x30: {  	s3 =	sld [smem:$0x3FAD]  }
0x31: {  	[smem:$0x3FB6] =	sst s10  }
0x32: {  	s10 =	sld [smem:$0x3FB4];
	_ =	sdelay $0x3  }
0x33: {  	p0 =	seq.s32 s10, $0x1;
	s10 =	sld [smem:$0x3FB6];
	_ =	sdelay $0x3  }
0x34: {  	[smem:$0x3FB6] =	sst s10  }
0x35: {  	s10 =	sld [smem:$0x3FB5];
	_ =	sdelay $0x3  }
0x36: {  	p1 =	seq.s32 s10, $0x1;
	s10 =	sld [smem:$0x3FB6];
	_ =	sdelay $0x3  }
0x37: {  	[smem:$0x3FB6] =	sst s10  }
0x38: {  	s10 =	sld [smem:$0x3FB7]  }
0x39: {  	_ = 	snop;
	(pc) =	sbr.ind lr, $3  }
0x3a: {  	_ = 	snop  }
0x3b: {  	_ = 	snop  }
0x3c: {  	p2 =	seq.s32 s10, $0x1;
	s10 =	sld [smem:$0x3FB6]  }
0x3d: {  	_ =	shalt  }
0x3e: {  	_ =	shalt  }
0x3f: {  	_ =	shalt  }
0x40: {  	_ =	shalt  }
0x41: {  	_ =	shalt  }
0x42: {  	_ =	shalt  }
0x43: {  	_ =	shalt  }
0x44: {  	_ =	shalt  }
0x45: {  	_ =	shalt  }
0x46: {  	_ =	shalt  }
0x47: {  	_ =	shalt  }
0x48: {  	_ =	shalt  }
0x49: {  	_ =	shalt  }
0x4a: {  	_ =	shalt  }
0x4b: {  	_ =	shalt  }
0x4c: {  	_ =	shalt  }
0x4d: {  	_ =	shalt  }
0x4e: {  	_ =	shalt  }
0x4f: {  	_ =	shalt  }
0x50: {  	_ =	shalt  }
0x51: {  	_ =	shalt  }
0x52: {  	_ =	shalt  }
0x53: {  	_ =	shalt  }
0x54: {  	_ =	shalt  }
0x55: {  	_ =	shalt  }
0x56: {  	_ =	shalt  }
0x57: {  	_ =	shalt  }
0x58: {  	_ =	shalt  }
0x59: {  	_ =	shalt  }
0x5a: {  	_ =	shalt  }
0x5b: {  	_ =	shalt  }
0x5c: {  	_ =	shalt  }
0x5d: {  	_ =	shalt  }
0x5e: {  	_ =	shalt  }
0x5f: {  	_ =	shalt  }
0x60: {  	_ =	shalt  }
0x61: {  	_ =	shalt  }
0x62: {  	_ =	shalt  }
0x63: {  	_ =	shalt  }
0x64: {  	_ =	shalt  }
0x65: {  	_ =	shalt  }
0x66: {  	_ =	shalt  }
0x67: {  	_ =	shalt  }
0x68: {  	_ =	shalt  }
0x69: {  	_ =	shalt  }
0x6a: {  	_ =	shalt  }
0x6b: {  	_ =	shalt  }
0x6c: {  	_ =	shalt  }
0x6d: {  	_ =	shalt  }
0x6e: {  	_ =	shalt  }
0x6f: {  	_ =	shalt  }
0x70: {  	_ =	shalt  }
0x71: {  	_ =	shalt  }
0x72: {  	_ =	shalt  }
0x73: {  	_ =	shalt  }
0x74: {  	_ =	shalt  }
0x75: {  	_ =	shalt  }
0x76: {  	_ =	shalt  }
0x77: {  	_ =	shalt  }
0x78: {  	_ =	shalt  }
0x79: {  	_ =	shalt  }
0x7a: {  	_ =	shalt  }
0x7b: {  	_ =	shalt  }
0x7c: {  	_ =	shalt  }
0x7d: {  	_ =	shalt  }
0x7e: {  	_ =	shalt  }
0x7f: {  	_ =	shalt  }
0x80: {  	_ =	shalt  }
0x81: {  	_ =	shalt  }
0x82: {  	_ =	shalt  }
0x83: {  	_ =	shalt  }
0x84: {  	_ =	shalt  }
0x85: {  	_ =	shalt  }
0x86: {  	_ =	shalt  }
0x87: {  	_ =	shalt  }
.Lfunc_end0:
.L_simem_size_0:
called_computation.1_lowered:
.L_overlay_start_0:
0x88: {  	s2 =	sld [smem:$0x3FD9]  }
0x89: {  	s3 =	sld [smem:$0x3FFE];
	_ =	sdelay $0x1  }
0x8a: {  	s1 =	srdreg.scid  }
0x8b: {  	s0 =	sand.u32 $0x1, s1  }
0x8c: {  	s17 =	sshll.u32 s0, $0xA;
	s2 =	sadd.s32 s3, s2  }
0x8d: {  	s2 =	sadd.s32 s2, s17  }
0x8e: {  	[smem:$0x3FC2] =	sst s2  }
0x8f: {  	_ = 	snop  }
0x90: {  	s2 =	sld [smem:$0x3FD0];
	(tm) =	ssettm $0x1  }
0x91: {  	s18 =	sld [smem:$0x3FFB];
	_ =	sdelay $0x3  }
0x92: {  	_ =	strace s18  }
0x93: {  	s3 =	sld [smem:$0x3FFC];
	_ =	sdelay $0x3  }
0x94: {  	_ =	strace s3  }
0x95: {  	s3 =	sld [smem:$0x3FFD];
	_ =	sdelay $0x3  }
0x96: {  	_ =	strace s3  }
0x97: {  	_ =	strace $0x8FFFFFFF  }
0x98: {  	s19 =	sld [smem:$0x3FDB];
	_ =	sdelay $0x1  }
0x99: {  	s4 =	simm.s32 $_scs_section_size  }
0x9a: {  	s5 =	simm.s32 $_size__tile_overlayer_lowered;
	s6 =	simm.s32 $_tile_overlayer_lowered  }
0x9b: {  	s22 =	simm.s32 $0x1BFF;
	s21 =	sshll.u32 s6, $0x1;
	s3 =	sadd.s32 s4, s19  }
0x9c: {  	s7 =	simm.s32 $0x0;
	s20 =	sshll.u32 s5, $0x1;
	s5 =	sadd.s32 s21, s3  }
0x9d: {  	[timem:s7], [sflag:s22] =	dma.local [hbm:s5], s20  }
0x9e: {  	_ =	swait.ge [sflag:s22], s20  }
0x9f: {  	s4 =	ssub.s32 $0x0, s20;
	[sflag:s22] =	ssyncset.done $0x0  }
0xa0: {  	[sflag:s22] =	ssyncadd.s32 s4;
	_ =	sdelay $0x1  }
0xa1: {  	s23 =	simm.s32 $0x1B8B  }
0xa2: {  	_ =	swait.ge [sflag:s23], $0x1  }
0xa3: {  	[sflag:s23] =	ssyncset.done $0x0  }
0xa4: {  	s25 =	simm.s32 $0x1B8E;
	s24 =	sld [smem:$0x3FFE];
	[sflag:s23] =	ssyncadd.s32 $0xFFFFFFFF  }
0xa5: {  	s26 =	simm.s32 $execute0_lowered;
	[smem:$0x3FD2] =	sst s25  }
0xa6: {  	s5 =	sshll.u32 s26, $0x1;
	_ =	strace $0x80000049;
	[dreg:$0x1] =	wrdreg $0xFFFFFFFF  }
0xa7: {  	s28 =	simm.s32 $_size_execute0_lowered;
	s3 =	sadd.s32 s3, s5;
	[dreg:$0x0] =	wrdreg $0x0  }
0xa8: {  	s5 =	sshll.u32 s28, $0x1;
	[dreg:$0x2] =	wrdreg s3  }
0xa9: {  	[dreg:$0x3] =	wrdreg s5  }
0xaa: {  	[dreg:$0x4] =	wrdreg $0xC0  }
0xab: {  	_ =	task [dreg:s7], $0x5FFFF  }
0xac: {  	[dreg:$0x1] =	wrdreg $0xFFFFFFFF  }
0xad: {  	[dreg:$0x0] =	wrdreg $0x60  }
0xae: {  	[dreg:$0x2] =	wrdreg s24  }
0xaf: {  	[dreg:$0x3] =	wrdreg s2  }
0xb0: {  	[dreg:$0x4] =	wrdreg $0x98000  }
0xb1: {  	[dreg:$0x5] =	wrdreg $0xAC000  }
0xb2: {  	[dreg:$0x6] =	wrdreg $0x9  }
0xb3: {  	_ =	task.clear_ibuf [dreg:s7], $0x7FFFF;
	_ =	strace $0x90000049  }
0xb4: {  	s29 =	simm.s32 $0x9;
	_ =	strace $0x8000004B  }
0xb5: {  	_ =	swait.ge [sflag:s29], $0x1  }
0xb6: {  	[sflag:s29] =	ssyncadd.s32 $0xFFFFFFFF  }
0xb7: {  	_ =	strace $0x9000004B  }
0xb8: {  	_ =	sfence  }
0xb9: {  	s30 =	sld [smem:$0x0];
	_ =	sdelay $0x2  }
0xba: {  	s31 =	sshll.u32 s1, $0xD;
	s1 =	sshrl.u32 s1, $0x2  }
0xbb: {  	s3 =	sand.u32 $0x4000, s31;
	s1 =	sadd.s32 s1, s30  }
0xbc: {  	s0 =	sor.u32 s3, s0;
	s1 =	sshll.u32 s1, $0x11  }
0xbd: {  	s0 =	sor.u32 s1, s0  }
0xbe: {  	s0 =	sadd.s32 $0x8F2B, s0  }
0xbf: {  	[sflag:s0] =	ssyncadd.remote.s32 $0x1  }
0xc0: {  	_ =	sfence.sel $0xFFFF  }
0xc1: {  	[dreg:$0x0] =	wrdreg $0xFFFFFFFF;
	(pc) =	sbr.abs _section_cstart, $3  }
0xc2: {  	[dreg:$0x1] =	wrdreg $0xFFFFFFFF  }
0xc3: {  	_ =	task.clear_ibuf [dreg:s7], $0x2FFFF;
	_ =	strace $0x9FFFFFFF  }
0xc4: {  	(tm) =	ssettm $0x7FFFFFFF  }
0xc5: {  	_ =	shalt  }
tec
execute0_lowered:
.L_overlay_start_1:
0x0: {  	(tag) =	ssettag $0x1  }
0x1: {  	s5 =	rddreg [dreg:$0x0]  }
0x2: {  	s6 =	rddreg [dreg:$0x1]  }
0x3: {  	s0 =	srdreg.scid;
	s2 =	rddreg [dreg:$0x2]  }
0x4: {  	s3 =	rddreg [dreg:$0x3];
	s4 =	simm.s32 $0x0;
	s18 =	simm.s32 $0x2C00  }
0x5: {  	s19 =	simm.s32 $0x80;
	s7 =	sand.u32 $0x1, s0;
	s0 =	stileid.u32  }
0x6: {  	s20 =	simm.s32 $0x5800;
	s21 =	simm.s32 $0x1;
	s9 =	smul.u32 $0x14000, s0  }
0x7: {  	s22 =	simm.s32 $0x0;
	[smem:$0x7FF] =	sst s4;
	s11 =	smul.u32 $0x140000, s7  }
0x8: {  	s1 =	sshll.u32 s7, $0x4;
	s7 =	ssub.s32 $0x2, s7;
	s29 =	smul.u32 $0x50000, s0  }
0x9: {  	s13 =	smul.u32 $0x2800, s0;
	p0 =	seq.s32 s0, $0xF;
	s17 =	sshll.u32 s0, $0x6  }
0xa: {  	s8 =	sor.u32 s0, s1;
	s1 =	rddreg [dreg:$0x4];
	_ =	strace $0x8000004A  }
0xb: {  	s30 =	sshrl.u32 s7, $0x1;
	s8 =	smul.u32 $0x580, s8;
	s10 =	sshrl.u32 s9, $0x3  }
0xc: {  	s9 =	sadd.s32 s9, s11;
	s11 =	ssub.s32 s7, s30;
	s31 =	sshrl.u32 s29, $0x2  }
0xd: {  	s28 =	sadd.s32 s10, s5;
	s9 =	sshrl.u32 s9, $0x3;
	s15 =	sadd.s32 s31, s2  }
0xe: {  	s16 =	sadd.s32 s31, s3;
	s11 =	smax.u32 s11, $0x1;
	s12 =	sadd.s32 s8, s5  }
0xf: {  	s14 =	sadd.s32 s9, s5;
	s5 =	sadd.s32 s6, s13;
	s13 =	sadd.s32 $0x12C000, s2  }
0x10: {  	s6 =	sadd.s32 $0x25800, s6;
	s7 =	sadd.s32 $0xCE00, s28;
	s16 =	sshrl.u32 s16, $0x3  }
0x11: {  	s8 =	sadd.s32 $0xACE00, s12;
	s10 =	sadd.s32 $0x34E00, s14;
	s14 =	sshll.u32 @!p0 s0, $0x6  }
0x12: {  	s9 =	sadd.s32 $0x1E00, s12;
	s12 =	sshrl.u32 @p0 s13, $0x3;
	s13 =	sor.u32 @!p0 $0x1C02, s14  }
0x13: {  	s14 =	sshrl.u32 @!p0 s15, $0x3;
	s15 =	sor.u32 $0x1C02, s17;
	s17 =	simm.s32 $0x2  }
.LBB2_1:
0x14: {  	s23 =	simm.s32 @p0 $0x1FC2  }
0x15: {  	[spmem:s12], [sflag:s23] =	dma.local @p0 [hbm:s6], $0x1900  }
0x16: {  	s23 =	simm.s32 @p0 $0x2  }
0x17: {  	_ =	swait.ge @p0 [sflag:s23], $0x1900  }
0x18: {  	[sflag:s23] =	ssyncset.done @p0 $0x0  }
0x19: {  	[sflag:s23] =	ssyncadd.s32 @p0 $0xFFFFE700;
	s23 =	simm.s32 @!p0 $0x2  }
0x1a: {  	[spmem:s14], [sflag:s13] =	dma.local @!p0 [hbm:s5], $0x2800  }
0x1b: {  	_ =	swait.ge @!p0 [sflag:s23], $0x2800  }
0x1c: {  	[sflag:s23] =	ssyncset.done @!p0 $0x0  }
0x1d: {  	[sflag:s23] =	ssyncadd.s32 @!p0 $0xFFFFD800  }
0x1e: {  	[spmem:s16], [sflag:s15] =	dma.local [hbm:s7], $0x2800  }
0x1f: {  	_ =	swait.ge [sflag:s17], $0x2800  }
0x20: {  	[sflag:s17] =	ssyncset.done $0x0  }
0x21: {  	[sflag:s17] =	ssyncadd.s32 $0xFFFFD800  }
0x22: {  	[tilespmem:s4], [sflag:$0x2] =	stream.linear.gather [hbm4b:s8+s4], $0x2880, $0x38;
	[tilespmem:$0xC000] =	vst v63  }
0x23: {  	_ =	swait.ge [sflag:s17], $0x2880  }
0x24: {  	[sflag:s17] =	ssyncset.done $0x0  }
0x25: {  	[sflag:s17] =	ssyncadd.s32 $0xFFFFD780  }
0x26: {  	[tilespmem:s18], [sflag:$0x2] =	stream.linear.gather [hbm4b:s9+s4], $0x2880, $0x38;
	[tilespmem:$0xC000] =	vst v63  }
0x27: {  	_ =	swait.ge [sflag:s17], $0x2880  }
0x28: {  	[sflag:s17] =	ssyncset.done $0x0  }
0x29: {  	[sflag:s17] =	ssyncadd.s32 $0xFFFFD780  }
0x2a: {  	s30 =	simm.s32 $0x0;
	[bflag:$0x0] =	sbarrier.arrive $0xFFFF  }
0x2b: {  	[tilespmem:s20], [sflag:$0x1] =	stream.indirect.gather [spmem:s2], $0x8, s30, s19, $0xb8;
	[tilespmem:$0xC000] =	vst v63  }
0x2c: {  	_ =	swait.ge [sflag:s21], $0x400  }
0x2d: {  	[sflag:s21] =	ssyncset.done $0x0  }
0x2e: {  	s31 =	simm.s32 $0x2C00;
	[sflag:s21] =	ssyncadd.s32 $0xFFFFFC00  }
0x2f: {  	[spmem:s3] =	stream.indirect.scatter.add.f32 [tilespmem:s20], [sflag:$0x2], $0x8, s31, s19, $0xb8;
	[tilespmem:$0xC000] =	vst v63  }
0x30: {  	_ =	swait.ge [sflag:s17], $0x400  }
0x31: {  	s24 =	simm.s32 $0x400;
	s23 =	simm.s32 $0x200;
	[sflag:s17] =	ssyncset.done $0x0  }
.LBB2_2:
0x32: {  	s25 =	sshra.s32 s23, $0x2  }
0x33: {  	[sflag:s17] =	ssyncadd.s32 $0xFFFFFC00;
	s23 =	smov.u32 s24;
	s26 =	sadd.s32 $0x200, s24  }
0x34: {  	[tilespmem:s20], [sflag:$0x1] =	stream.indirect.gather [spmem:s2], $0x8, s25, s19, $0xb8;
	[tilespmem:$0xC000] =	vst v63  }
0x35: {  	p1 =	sne.s32 s24, $0xA000;
	_ =	swait.ge [sflag:s21], $0x400  }
.Ltmp0:
0x36: {  	[sflag:s21] =	ssyncset.done $0x0;
	(pc) =	sbr.rel @p1 .LBB2_2-.Ltmp0, $4  }
0x37: {  	s24 =	sadd.s32 $0x2C00, s25;
	[sflag:s21] =	ssyncadd.s32 $0xFFFFFC00  }
0x38: {  	[spmem:s3] =	stream.indirect.scatter.add.f32 [tilespmem:s20], [sflag:$0x2], $0x8, s24, s19, $0xb8;
	[tilespmem:$0xC000] =	vst v63  }
0x39: {  	_ =	swait.ge [sflag:s17], $0x400  }
0x3a: {  	s24 =	smov.u32 s26;
	[sflag:s17] =	ssyncset.done $0x0  }
0x3b: {  	s23 =	sshra.s32 s23, $0x2;
	[sflag:s17] =	ssyncadd.s32 $0xFFFFFC00  }
0x3c: {  	[tilespmem:s20], [sflag:$0x1] =	stream.indirect.gather [spmem:s2], $0x8, s23, s19, $0xb8;
	[tilespmem:$0xC000] =	vst v63  }
0x3d: {  	_ =	swait.ge [sflag:s21], $0x400  }
0x3e: {  	[sflag:s21] =	ssyncset.done $0x0  }
0x3f: {  	s23 =	sadd.s32 $0x2C00, s23;
	[sflag:s21] =	ssyncadd.s32 $0xFFFFFC00  }
0x40: {  	[spmem:s3] =	stream.indirect.scatter.add.f32 [tilespmem:s20], [sflag:$0x2], $0x8, s23, s19, $0xb8;
	[tilespmem:$0xC000] =	vst v63  }
0x41: {  	_ =	swait.ge [sflag:s17], $0x400  }
0x42: {  	s22 =	sadd.s32 $0x1, s22;
	[sflag:s17] =	ssyncset.done $0x0  }
0x43: {  	p1 =	sne.s32 s22, s11;
	[sflag:s17] =	ssyncadd.s32 $0xFFFFFC00  }
.Ltmp1:
0x44: {  	[bflag:$0x0] =	sbarrier.arrive $0xFFFF;
	(pc) =	sbr.rel @p1 .LBB2_1-.Ltmp1, $4  }
0x45: {  	[hbm:s10], [sflag:s15] =	dma.local [spmem:s16], $0x2800  }
0x46: {  	_ =	swait.ge [sflag:s17], $0x2800  }
0x47: {  	[sflag:s17] =	ssyncset.done $0x0  }
0x48: {  	[sflag:s17] =	ssyncadd.s32 $0xFFFFD800  }
0x49: {  	_ =	sfence.sel $0x180000  }
0x4a: {  	[bflag:$0x0] =	sbarrier.arrive $0xFFFF  }
0x4b: {  	p0 =	sne.s32 s0, $0x0;
	_ =	strace $0x9000004A  }
0x4c: {  	s0 =	sadd.s32 @!p0 $0x100000, s1;
	[bflag:$0x2] =	sbarrier.arrive $0xFFFF  }
0x4d: {  	[sflag:s0] =	ssyncadd.tile.s32 @!p0 $0x1;
	_ =	shalt  }
.Lfunc_end2:
_tile_overlayer_lowered:
.L_overlay_start_2:
0x4e: {  	(tag) =	ssettag $0x2  }
0x4f: {  	s0 =	rddreg [dreg:$0x0];
	s2 =	stileid.u32  }
0x50: {  	s1 =	rddreg [dreg:$0x1];
	p0 =	sne.s32 s2, $0x0  }
0x51: {  	s3 =	rddreg [dreg:$0x2];
	[bflag:$0x3] =	sbarrier.arrive $0xFFFF;
	s2 =	simm.s32 @!p0 $0x1C02  }
0x52: {  	[timem:s3], [sflag:s2] =	dma.local @!p0 [hbm:s0], s1  }
0x53: {  	s0 =	simm.s32 @!p0 $0x2  }
0x54: {  	_ =	swait.ge @!p0 [sflag:s0], s1  }
0x55: {  	s1 =	ssub.s32 @!p0 $0x0, s1;
	[sflag:s0] =	ssyncset.done @!p0 $0x0  }
0x56: {  	[sflag:s0] =	ssyncadd.s32 @!p0 s1  }
0x57: {  	[bflag:$0x3] =	sbarrier.arrive $0xFFFF  }
0x58: {  	_ =	shalt  }

// kernel: kernel.14.cloned.1.call-start
scs
__scs_entry_jumppad:
0x0: {  	(pc) =	sbr.rel $0x88, $3  }
0x1: {  	(tag) =	ssettag $0x0;
	lr =	simm.s32 $0x1  }
0x2: {  	[smem:$0x3F9B] =	sst lr;
	_ =	strace $0xD0000000  }
0x3: {  	_ = 	snop  }
0x4: {  	_ = 	snop  }
0x5: {  	_ = 	snop  }
0x6: {  	_ = 	snop  }
0x7: {  	_ = 	snop  }
__scs_overlays_trampoline_lowered:
0x8: {  	[smem:$0x3FAA] =	sst s0  }
0x9: {  	[smem:$0x3FAB] =	sst s1  }
0xa: {  	[smem:$0x3FAC] =	sst s2  }
0xb: {  	[smem:$0x3FAD] =	sst s3  }
0xc: {  	[smem:$0x3FAE] =	sst s4  }
0xd: {  	[smem:$0x3FAF] =	sst s5  }
0xe: {  	[smem:$0x3FB0] =	sst s6  }
0xf: {  	[smem:$0x3FB1] =	sst s7  }
0x10: {  	[smem:$0x3FB2] =	sst s8  }
0x11: {  	[smem:$0x3FB3] =	sst s9;
	s0 =	simm.s32 @!p0 $0x0  }
0x12: {  	s1 =	sld [smem:$0x3F99];
	s0 =	simm.s32 @p0 $0x1  }
0x13: {  	[smem:$0x3FB4] =	sst s0;
	s0 =	simm.s32 @!p1 $0x0  }
0x14: {  	s2 =	sld [smem:$0x3F98];
	s0 =	simm.s32 @p1 $0x1  }
0x15: {  	[smem:$0x3FB5] =	sst s0;
	s0 =	simm.s32 @!p2 $0x0  }
0x16: {  	s3 =	sld [smem:$0x3FDB];
	s0 =	simm.s32 @p2 $0x1  }
0x17: {  	s4 =	simm.s32 $0x1BF5;
	[smem:$0x3FB7] =	sst s0  }
0x18: {  	s0 =	sld [smem:$0x3F9A];
	_ =	swait.ge [sflag:s4], $0x0  }
0x19: {  	s7 =	sld [smem:$0x3F9B]  }
0x1a: {  	s8 =	sadd.s32 $0xFFFFE003, lr  }
0x1b: {  	s9 =	sadd.s32 $0xFFFFFEF7, lr;
	s5 =	simm.s32 $0xFFFFFFFF;
	p2 =	slt.u32 s8, $0xFFFFF086  }
0x1c: {  	p1 =	slt.u32 s9, $0xF7A;
	s5 =	simm.s32 @!p2 $0x0  }
0x1d: {  	s5 =	simm.s32 @p1 $0x1;
	p0 =	seq.s32 s7, s2  }
0x1e: {  	s7 =	smul.u32 @!p0 $0xF7A, s2;
	p2 =	seq.s32 @!p0 s5, $0x0  }
0x1f: {  	s9 =	smul.u32 $0xF7A, s1;
	s8 =	simm.s32 @!p0 $0x1BF5;
	p2 =	por !p2, p0  }
0x20: {  	[sflag:s8] =	ssyncset.s32 @!p0 $0xFFFFF086;
	s6 =	sadd.s32 @!p0 s3, s7;
	s7 =	simm.s32 @!p0 $0x108  }
0x21: {  	s3 =	sadd.s32 s3, s9;
	s6 =	sadd.s32 @!p0 $0x88, s6;
	s7 =	simm.s32 @p2 $0x1082  }
0x22: {  	[simem:s7], [sflag:s8] =	dma.local @!p0 [hbm:s6], $0xF7A  }
0x23: {  	s9 =	sor.u32 $0xD0000000, s2;
	s6 =	simm.s32 $0x108;
	_ =	swait.ge @!p0 [sflag:s8], $0x0  }
0x24: {  	s3 =	sadd.s32 $0x88, s3;
	s6 =	simm.s32 @!p1 $0x1082;
	[sflag:s4] =	ssyncset.s32 $0xFFFFF086  }
0x25: {  	[simem:s6], [sflag:s4] =	dma.local [hbm:s3], $0xF7A  }
0x26: {  	[smem:$0x3F9B] =	sst s1;
	(tag) =	ssettag s2;
	_ =	strace s9  }
0x27: {  	s1 =	sld [smem:$0x3FAB]  }
0x28: {  	s2 =	sld [smem:$0x3FAC]  }
0x29: {  	s4 =	sld [smem:$0x3FAE]  }
0x2a: {  	p0 =	seq.s32 s5, $0x0;
	s5 =	sld [smem:$0x3FAF]  }
0x2b: {  	s6 =	sld [smem:$0x3FB0]  }
0x2c: {  	s7 =	sld [smem:$0x3FB1]  }
0x2d: {  	s3 =	simm.s32 $0x108;
	s8 =	sld [smem:$0x3FB2]  }
0x2e: {  	s3 =	simm.s32 @!p0 $0x1082;
	s9 =	sld [smem:$0x3FB3]  }
0x2f: {  	lr =	sadd.s32 s0, s3;
	s0 =	sld [smem:$0x3FAA]  }
0x30: {  	s3 =	sld [smem:$0x3FAD]  }
0x31: {  	[smem:$0x3FB6] =	sst s10  }
0x32: {  	s10 =	sld [smem:$0x3FB4];
	_ =	sdelay $0x3  }
0x33: {  	p0 =	seq.s32 s10, $0x1;
	s10 =	sld [smem:$0x3FB6];
	_ =	sdelay $0x3  }
0x34: {  	[smem:$0x3FB6] =	sst s10  }
0x35: {  	s10 =	sld [smem:$0x3FB5];
	_ =	sdelay $0x3  }
0x36: {  	p1 =	seq.s32 s10, $0x1;
	s10 =	sld [smem:$0x3FB6];
	_ =	sdelay $0x3  }
0x37: {  	[smem:$0x3FB6] =	sst s10  }
0x38: {  	s10 =	sld [smem:$0x3FB7]  }
0x39: {  	_ = 	snop;
	(pc) =	sbr.ind lr, $3  }
0x3a: {  	_ = 	snop  }
0x3b: {  	_ = 	snop  }
0x3c: {  	p2 =	seq.s32 s10, $0x1;
	s10 =	sld [smem:$0x3FB6]  }
0x3d: {  	_ =	shalt  }
0x3e: {  	_ =	shalt  }
0x3f: {  	_ =	shalt  }
0x40: {  	_ =	shalt  }
0x41: {  	_ =	shalt  }
0x42: {  	_ =	shalt  }
0x43: {  	_ =	shalt  }
0x44: {  	_ =	shalt  }
0x45: {  	_ =	shalt  }
0x46: {  	_ =	shalt  }
0x47: {  	_ =	shalt  }
0x48: {  	_ =	shalt  }
0x49: {  	_ =	shalt  }
0x4a: {  	_ =	shalt  }
0x4b: {  	_ =	shalt  }
0x4c: {  	_ =	shalt  }
0x4d: {  	_ =	shalt  }
0x4e: {  	_ =	shalt  }
0x4f: {  	_ =	shalt  }
0x50: {  	_ =	shalt  }
0x51: {  	_ =	shalt  }
0x52: {  	_ =	shalt  }
0x53: {  	_ =	shalt  }
0x54: {  	_ =	shalt  }
0x55: {  	_ =	shalt  }
0x56: {  	_ =	shalt  }
0x57: {  	_ =	shalt  }
0x58: {  	_ =	shalt  }
0x59: {  	_ =	shalt  }
0x5a: {  	_ =	shalt  }
0x5b: {  	_ =	shalt  }
0x5c: {  	_ =	shalt  }
0x5d: {  	_ =	shalt  }
0x5e: {  	_ =	shalt  }
0x5f: {  	_ =	shalt  }
0x60: {  	_ =	shalt  }
0x61: {  	_ =	shalt  }
0x62: {  	_ =	shalt  }
0x63: {  	_ =	shalt  }
0x64: {  	_ =	shalt  }
0x65: {  	_ =	shalt  }
0x66: {  	_ =	shalt  }
0x67: {  	_ =	shalt  }
0x68: {  	_ =	shalt  }
0x69: {  	_ =	shalt  }
0x6a: {  	_ =	shalt  }
0x6b: {  	_ =	shalt  }
0x6c: {  	_ =	shalt  }
0x6d: {  	_ =	shalt  }
0x6e: {  	_ =	shalt  }
0x6f: {  	_ =	shalt  }
0x70: {  	_ =	shalt  }
0x71: {  	_ =	shalt  }
0x72: {  	_ =	shalt  }
0x73: {  	_ =	shalt  }
0x74: {  	_ =	shalt  }
0x75: {  	_ =	shalt  }
0x76: {  	_ =	shalt  }
0x77: {  	_ =	shalt  }
0x78: {  	_ =	shalt  }
0x79: {  	_ =	shalt  }
0x7a: {  	_ =	shalt  }
0x7b: {  	_ =	shalt  }
0x7c: {  	_ =	shalt  }
0x7d: {  	_ =	shalt  }
0x7e: {  	_ =	shalt  }
0x7f: {  	_ =	shalt  }
0x80: {  	_ =	shalt  }
0x81: {  	_ =	shalt  }
0x82: {  	_ =	shalt  }
0x83: {  	_ =	shalt  }
0x84: {  	_ =	shalt  }
0x85: {  	_ =	shalt  }
0x86: {  	_ =	shalt  }
0x87: {  	_ =	shalt  }
.Lfunc_end0:
.L_simem_size_0:
called_computation.2_lowered:
.L_overlay_start_0:
0x88: {  	s2 =	sld [smem:$0x3FD9]  }
0x89: {  	s3 =	sld [smem:$0x3FFE];
	_ =	sdelay $0x1  }
0x8a: {  	s1 =	srdreg.scid  }
0x8b: {  	s0 =	sand.u32 $0x1, s1  }
0x8c: {  	s17 =	sshll.u32 s0, $0xA;
	s2 =	sadd.s32 s3, s2  }
0x8d: {  	s2 =	sadd.s32 s2, s17  }
0x8e: {  	[smem:$0x3FC2] =	sst s2  }
0x8f: {  	_ = 	snop  }
0x90: {  	s2 =	sld [smem:$0x3FD0];
	(tm) =	ssettm $0x1  }
0x91: {  	s18 =	sld [smem:$0x3FFB];
	_ =	sdelay $0x3  }
0x92: {  	_ =	strace s18  }
0x93: {  	s3 =	sld [smem:$0x3FFC];
	_ =	sdelay $0x3  }
0x94: {  	_ =	strace s3  }
0x95: {  	s3 =	sld [smem:$0x3FFD];
	_ =	sdelay $0x3  }
0x96: {  	_ =	strace s3  }
0x97: {  	_ =	strace $0x8FFFFFFF  }
0x98: {  	s19 =	sld [smem:$0x3FDB];
	_ =	sdelay $0x1  }
0x99: {  	s4 =	simm.s32 $_scs_section_size  }
0x9a: {  	s5 =	simm.s32 $_size__tile_overlayer_lowered;
	s6 =	simm.s32 $_tile_overlayer_lowered  }
0x9b: {  	s22 =	simm.s32 $0x1BFF;
	s21 =	sshll.u32 s6, $0x1;
	s3 =	sadd.s32 s4, s19  }
0x9c: {  	s7 =	simm.s32 $0x0;
	s20 =	sshll.u32 s5, $0x1;
	s5 =	sadd.s32 s21, s3  }
0x9d: {  	[timem:s7], [sflag:s22] =	dma.local [hbm:s5], s20  }
0x9e: {  	_ =	swait.ge [sflag:s22], s20  }
0x9f: {  	s4 =	ssub.s32 $0x0, s20;
	[sflag:s22] =	ssyncset.done $0x0  }
0xa0: {  	[sflag:s22] =	ssyncadd.s32 s4;
	_ =	sdelay $0x1  }
0xa1: {  	s23 =	simm.s32 $0x1B8B  }
0xa2: {  	_ =	swait.ge [sflag:s23], $0x1  }
0xa3: {  	[sflag:s23] =	ssyncset.done $0x0  }
0xa4: {  	s25 =	simm.s32 $0x1B8E;
	s24 =	sld [smem:$0x3FFE];
	[sflag:s23] =	ssyncadd.s32 $0xFFFFFFFF  }
0xa5: {  	s26 =	simm.s32 $execute0_lowered;
	[smem:$0x3FD2] =	sst s25  }
0xa6: {  	s5 =	sshll.u32 s26, $0x1;
	_ =	strace $0x8000004C;
	[dreg:$0x1] =	wrdreg $0xFFFFFFFF  }
0xa7: {  	s28 =	simm.s32 $_size_execute0_lowered;
	s3 =	sadd.s32 s3, s5;
	[dreg:$0x0] =	wrdreg $0x0  }
0xa8: {  	s5 =	sshll.u32 s28, $0x1;
	[dreg:$0x2] =	wrdreg s3  }
0xa9: {  	[dreg:$0x3] =	wrdreg s5  }
0xaa: {  	[dreg:$0x4] =	wrdreg $0xC0  }
0xab: {  	_ =	task [dreg:s7], $0x5FFFF  }
0xac: {  	[dreg:$0x1] =	wrdreg $0xFFFFFFFF  }
0xad: {  	[dreg:$0x0] =	wrdreg $0x60  }
0xae: {  	[dreg:$0x2] =	wrdreg s24  }
0xaf: {  	[dreg:$0x3] =	wrdreg s2  }
0xb0: {  	[dreg:$0x4] =	wrdreg $0x98000  }
0xb1: {  	[dreg:$0x5] =	wrdreg $0xAC000  }
0xb2: {  	[dreg:$0x6] =	wrdreg $0x9  }
0xb3: {  	_ =	task.clear_ibuf [dreg:s7], $0x7FFFF;
	_ =	strace $0x9000004C  }
0xb4: {  	s29 =	simm.s32 $0x9;
	_ =	strace $0x8000004E  }
0xb5: {  	_ =	swait.ge [sflag:s29], $0x1  }
0xb6: {  	[sflag:s29] =	ssyncadd.s32 $0xFFFFFFFF  }
0xb7: {  	_ =	strace $0x9000004E  }
0xb8: {  	_ =	sfence  }
0xb9: {  	s30 =	sld [smem:$0x0];
	_ =	sdelay $0x2  }
0xba: {  	s31 =	sshll.u32 s1, $0xD;
	s1 =	sshrl.u32 s1, $0x2  }
0xbb: {  	s3 =	sand.u32 $0x4000, s31;
	s1 =	sadd.s32 s1, s30  }
0xbc: {  	s0 =	sor.u32 s3, s0;
	s1 =	sshll.u32 s1, $0x11  }
0xbd: {  	s0 =	sor.u32 s1, s0  }
0xbe: {  	s0 =	sadd.s32 $0x8F2B, s0  }
0xbf: {  	[sflag:s0] =	ssyncadd.remote.s32 $0x1  }
0xc0: {  	_ =	sfence.sel $0xFFFF  }
0xc1: {  	[dreg:$0x0] =	wrdreg $0xFFFFFFFF;
	(pc) =	sbr.abs _section_cstart, $3  }
0xc2: {  	[dreg:$0x1] =	wrdreg $0xFFFFFFFF  }
0xc3: {  	_ =	task.clear_ibuf [dreg:s7], $0x2FFFF;
	_ =	strace $0x9FFFFFFF  }
0xc4: {  	(tm) =	ssettm $0x7FFFFFFF  }
0xc5: {  	_ =	shalt  }
tec
execute0_lowered:
.L_overlay_start_1:
0x0: {  	(tag) =	ssettag $0x1  }
0x1: {  	s5 =	rddreg [dreg:$0x0]  }
0x2: {  	s6 =	rddreg [dreg:$0x1]  }
0x3: {  	s0 =	srdreg.scid;
	s2 =	rddreg [dreg:$0x2]  }
0x4: {  	s3 =	rddreg [dreg:$0x3];
	s4 =	simm.s32 $0x0;
	s18 =	simm.s32 $0x2C00  }
0x5: {  	s19 =	simm.s32 $0x80;
	s7 =	sand.u32 $0x1, s0;
	s0 =	stileid.u32  }
0x6: {  	s20 =	simm.s32 $0x5800;
	s21 =	simm.s32 $0x1;
	s9 =	smul.u32 $0x14000, s0  }
0x7: {  	s22 =	simm.s32 $0x0;
	[smem:$0x7FF] =	sst s4;
	s11 =	smul.u32 $0x140000, s7  }
0x8: {  	s1 =	sshll.u32 s7, $0x4;
	s7 =	ssub.s32 $0x2, s7;
	s29 =	smul.u32 $0x50000, s0  }
0x9: {  	s13 =	smul.u32 $0x2800, s0;
	p0 =	seq.s32 s0, $0xF;
	s17 =	sshll.u32 s0, $0x6  }
0xa: {  	s8 =	sor.u32 s0, s1;
	s1 =	rddreg [dreg:$0x4];
	_ =	strace $0x8000004D  }
0xb: {  	s30 =	sshrl.u32 s7, $0x1;
	s8 =	smul.u32 $0x580, s8;
	s10 =	sshrl.u32 s9, $0x3  }
0xc: {  	s9 =	sadd.s32 s9, s11;
	s11 =	ssub.s32 s7, s30;
	s31 =	sshrl.u32 s29, $0x2  }
0xd: {  	s28 =	sadd.s32 s10, s5;
	s9 =	sshrl.u32 s9, $0x3;
	s15 =	sadd.s32 s31, s2  }
0xe: {  	s16 =	sadd.s32 s31, s3;
	s11 =	smax.u32 s11, $0x1;
	s12 =	sadd.s32 s8, s5  }
0xf: {  	s14 =	sadd.s32 s9, s5;
	s5 =	sadd.s32 s6, s13;
	s13 =	sadd.s32 $0x12C000, s2  }
0x10: {  	s6 =	sadd.s32 $0x25800, s6;
	s7 =	sadd.s32 $0xCE00, s28;
	s16 =	sshrl.u32 s16, $0x3  }
0x11: {  	s8 =	sadd.s32 $0xACE00, s12;
	s10 =	sadd.s32 $0x34E00, s14;
	s14 =	sshll.u32 @!p0 s0, $0x6  }
0x12: {  	s9 =	sadd.s32 $0x1E00, s12;
	s12 =	sshrl.u32 @p0 s13, $0x3;
	s13 =	sor.u32 @!p0 $0x1C02, s14  }
0x13: {  	s14 =	sshrl.u32 @!p0 s15, $0x3;
	s15 =	sor.u32 $0x1C02, s17;
	s17 =	simm.s32 $0x2  }
.LBB2_1:
0x14: {  	s23 =	simm.s32 @p0 $0x1FC2  }
0x15: {  	[spmem:s12], [sflag:s23] =	dma.local @p0 [hbm:s6], $0x1900  }
0x16: {  	s23 =	simm.s32 @p0 $0x2  }
0x17: {  	_ =	swait.ge @p0 [sflag:s23], $0x1900  }
0x18: {  	[sflag:s23] =	ssyncset.done @p0 $0x0  }
0x19: {  	[sflag:s23] =	ssyncadd.s32 @p0 $0xFFFFE700;
	s23 =	simm.s32 @!p0 $0x2  }
0x1a: {  	[spmem:s14], [sflag:s13] =	dma.local @!p0 [hbm:s5], $0x2800  }
0x1b: {  	_ =	swait.ge @!p0 [sflag:s23], $0x2800  }
0x1c: {  	[sflag:s23] =	ssyncset.done @!p0 $0x0  }
0x1d: {  	[sflag:s23] =	ssyncadd.s32 @!p0 $0xFFFFD800  }
0x1e: {  	[spmem:s16], [sflag:s15] =	dma.local [hbm:s7], $0x2800  }
0x1f: {  	_ =	swait.ge [sflag:s17], $0x2800  }
0x20: {  	[sflag:s17] =	ssyncset.done $0x0  }
0x21: {  	[sflag:s17] =	ssyncadd.s32 $0xFFFFD800  }
0x22: {  	[tilespmem:s4], [sflag:$0x2] =	stream.linear.gather [hbm4b:s8+s4], $0x2880, $0x38;
	[tilespmem:$0xC000] =	vst v63  }
0x23: {  	_ =	swait.ge [sflag:s17], $0x2880  }
0x24: {  	[sflag:s17] =	ssyncset.done $0x0  }
0x25: {  	[sflag:s17] =	ssyncadd.s32 $0xFFFFD780  }
0x26: {  	[tilespmem:s18], [sflag:$0x2] =	stream.linear.gather [hbm4b:s9+s4], $0x2880, $0x38;
	[tilespmem:$0xC000] =	vst v63  }
0x27: {  	_ =	swait.ge [sflag:s17], $0x2880  }
0x28: {  	[sflag:s17] =	ssyncset.done $0x0  }
0x29: {  	[sflag:s17] =	ssyncadd.s32 $0xFFFFD780  }
0x2a: {  	s30 =	simm.s32 $0x0;
	[bflag:$0x0] =	sbarrier.arrive $0xFFFF  }
0x2b: {  	[tilespmem:s20], [sflag:$0x1] =	stream.indirect.gather [spmem:s2], $0x8, s30, s19, $0xb8;
	[tilespmem:$0xC000] =	vst v63  }
0x2c: {  	_ =	swait.ge [sflag:s21], $0x400  }
0x2d: {  	[sflag:s21] =	ssyncset.done $0x0  }
0x2e: {  	s31 =	simm.s32 $0x2C00;
	[sflag:s21] =	ssyncadd.s32 $0xFFFFFC00  }
0x2f: {  	[spmem:s3] =	stream.indirect.scatter.add.f32 [tilespmem:s20], [sflag:$0x2], $0x8, s31, s19, $0xb8;
	[tilespmem:$0xC000] =	vst v63  }
0x30: {  	_ =	swait.ge [sflag:s17], $0x400  }
0x31: {  	s24 =	simm.s32 $0x400;
	s23 =	simm.s32 $0x200;
	[sflag:s17] =	ssyncset.done $0x0  }
.LBB2_2:
0x32: {  	s25 =	sshra.s32 s23, $0x2  }
0x33: {  	[sflag:s17] =	ssyncadd.s32 $0xFFFFFC00;
	s23 =	smov.u32 s24;
	s26 =	sadd.s32 $0x200, s24  }
0x34: {  	[tilespmem:s20], [sflag:$0x1] =	stream.indirect.gather [spmem:s2], $0x8, s25, s19, $0xb8;
	[tilespmem:$0xC000] =	vst v63  }
0x35: {  	p1 =	sne.s32 s24, $0xA000;
	_ =	swait.ge [sflag:s21], $0x400  }
.Ltmp0:
0x36: {  	[sflag:s21] =	ssyncset.done $0x0;
	(pc) =	sbr.rel @p1 .LBB2_2-.Ltmp0, $4  }
0x37: {  	s24 =	sadd.s32 $0x2C00, s25;
	[sflag:s21] =	ssyncadd.s32 $0xFFFFFC00  }
0x38: {  	[spmem:s3] =	stream.indirect.scatter.add.f32 [tilespmem:s20], [sflag:$0x2], $0x8, s24, s19, $0xb8;
	[tilespmem:$0xC000] =	vst v63  }
0x39: {  	_ =	swait.ge [sflag:s17], $0x400  }
0x3a: {  	s24 =	smov.u32 s26;
	[sflag:s17] =	ssyncset.done $0x0  }
0x3b: {  	s23 =	sshra.s32 s23, $0x2;
	[sflag:s17] =	ssyncadd.s32 $0xFFFFFC00  }
0x3c: {  	[tilespmem:s20], [sflag:$0x1] =	stream.indirect.gather [spmem:s2], $0x8, s23, s19, $0xb8;
	[tilespmem:$0xC000] =	vst v63  }
0x3d: {  	_ =	swait.ge [sflag:s21], $0x400  }
0x3e: {  	[sflag:s21] =	ssyncset.done $0x0  }
0x3f: {  	s23 =	sadd.s32 $0x2C00, s23;
	[sflag:s21] =	ssyncadd.s32 $0xFFFFFC00  }
0x40: {  	[spmem:s3] =	stream.indirect.scatter.add.f32 [tilespmem:s20], [sflag:$0x2], $0x8, s23, s19, $0xb8;
	[tilespmem:$0xC000] =	vst v63  }
0x41: {  	_ =	swait.ge [sflag:s17], $0x400  }
0x42: {  	s22 =	sadd.s32 $0x1, s22;
	[sflag:s17] =	ssyncset.done $0x0  }
0x43: {  	p1 =	sne.s32 s22, s11;
	[sflag:s17] =	ssyncadd.s32 $0xFFFFFC00  }
.Ltmp1:
0x44: {  	[bflag:$0x0] =	sbarrier.arrive $0xFFFF;
	(pc) =	sbr.rel @p1 .LBB2_1-.Ltmp1, $4  }
0x45: {  	[hbm:s10], [sflag:s15] =	dma.local [spmem:s16], $0x2800  }
0x46: {  	_ =	swait.ge [sflag:s17], $0x2800  }
0x47: {  	[sflag:s17] =	ssyncset.done $0x0  }
0x48: {  	[sflag:s17] =	ssyncadd.s32 $0xFFFFD800  }
0x49: {  	_ =	sfence.sel $0x180000  }
0x4a: {  	[bflag:$0x0] =	sbarrier.arrive $0xFFFF  }
0x4b: {  	p0 =	sne.s32 s0, $0x0;
	_ =	strace $0x9000004D  }
0x4c: {  	s0 =	sadd.s32 @!p0 $0x100000, s1;
	[bflag:$0x2] =	sbarrier.arrive $0xFFFF  }
0x4d: {  	[sflag:s0] =	ssyncadd.tile.s32 @!p0 $0x1;
	_ =	shalt  }
.Lfunc_end2:
_tile_overlayer_lowered:
.L_overlay_start_2:
0x4e: {  	(tag) =	ssettag $0x2  }
0x4f: {  	s0 =	rddreg [dreg:$0x0];
	s2 =	stileid.u32  }
0x50: {  	s1 =	rddreg [dreg:$0x1];
	p0 =	sne.s32 s2, $0x0  }
0x51: {  	s3 =	rddreg [dreg:$0x2];
	[bflag:$0x3] =	sbarrier.arrive $0xFFFF;
	s2 =	simm.s32 @!p0 $0x1C02  }
0x52: {  	[timem:s3], [sflag:s2] =	dma.local @!p0 [hbm:s0], s1  }
0x53: {  	s0 =	simm.s32 @!p0 $0x2  }
0x54: {  	_ =	swait.ge @!p0 [sflag:s0], s1  }
0x55: {  	s1 =	ssub.s32 @!p0 $0x0, s1;
	[sflag:s0] =	ssyncset.done @!p0 $0x0  }
0x56: {  	[sflag:s0] =	ssyncadd.s32 @!p0 s1  }
0x57: {  	[bflag:$0x3] =	sbarrier.arrive $0xFFFF  }
0x58: {  	_ =	shalt  }

// kernel: kernel.8.cloned.1.call-start
scs
__scs_entry_jumppad:
0x0: {  	(pc) =	sbr.rel $0x88, $3  }
0x1: {  	(tag) =	ssettag $0x0;
	lr =	simm.s32 $0x1  }
0x2: {  	[smem:$0x3F9B] =	sst lr;
	_ =	strace $0xD0000000  }
0x3: {  	_ = 	snop  }
0x4: {  	_ = 	snop  }
0x5: {  	_ = 	snop  }
0x6: {  	_ = 	snop  }
0x7: {  	_ = 	snop  }
__scs_overlays_trampoline_lowered:
0x8: {  	[smem:$0x3FAA] =	sst s0  }
0x9: {  	[smem:$0x3FAB] =	sst s1  }
0xa: {  	[smem:$0x3FAC] =	sst s2  }
0xb: {  	[smem:$0x3FAD] =	sst s3  }
0xc: {  	[smem:$0x3FAE] =	sst s4  }
0xd: {  	[smem:$0x3FAF] =	sst s5  }
0xe: {  	[smem:$0x3FB0] =	sst s6  }
0xf: {  	[smem:$0x3FB1] =	sst s7  }
0x10: {  	[smem:$0x3FB2] =	sst s8  }
0x11: {  	[smem:$0x3FB3] =	sst s9;
	s0 =	simm.s32 @!p0 $0x0  }
0x12: {  	s1 =	sld [smem:$0x3F99];
	s0 =	simm.s32 @p0 $0x1  }
0x13: {  	[smem:$0x3FB4] =	sst s0;
	s0 =	simm.s32 @!p1 $0x0  }
0x14: {  	s2 =	sld [smem:$0x3F98];
	s0 =	simm.s32 @p1 $0x1  }
0x15: {  	[smem:$0x3FB5] =	sst s0;
	s0 =	simm.s32 @!p2 $0x0  }
0x16: {  	s3 =	sld [smem:$0x3FDB];
	s0 =	simm.s32 @p2 $0x1  }
0x17: {  	s4 =	simm.s32 $0x1BF5;
	[smem:$0x3FB7] =	sst s0  }
0x18: {  	s0 =	sld [smem:$0x3F9A];
	_ =	swait.ge [sflag:s4], $0x0  }
0x19: {  	s7 =	sld [smem:$0x3F9B]  }
0x1a: {  	s8 =	sadd.s32 $0xFFFFE003, lr  }
0x1b: {  	s9 =	sadd.s32 $0xFFFFFEF7, lr;
	s5 =	simm.s32 $0xFFFFFFFF;
	p2 =	slt.u32 s8, $0xFFFFF086  }
0x1c: {  	p1 =	slt.u32 s9, $0xF7A;
	s5 =	simm.s32 @!p2 $0x0  }
0x1d: {  	s5 =	simm.s32 @p1 $0x1;
	p0 =	seq.s32 s7, s2  }
0x1e: {  	s7 =	smul.u32 @!p0 $0xF7A, s2;
	p2 =	seq.s32 @!p0 s5, $0x0  }
0x1f: {  	s9 =	smul.u32 $0xF7A, s1;
	s8 =	simm.s32 @!p0 $0x1BF5;
	p2 =	por !p2, p0  }
0x20: {  	[sflag:s8] =	ssyncset.s32 @!p0 $0xFFFFF086;
	s6 =	sadd.s32 @!p0 s3, s7;
	s7 =	simm.s32 @!p0 $0x108  }
0x21: {  	s3 =	sadd.s32 s3, s9;
	s6 =	sadd.s32 @!p0 $0x88, s6;
	s7 =	simm.s32 @p2 $0x1082  }
0x22: {  	[simem:s7], [sflag:s8] =	dma.local @!p0 [hbm:s6], $0xF7A  }
0x23: {  	s9 =	sor.u32 $0xD0000000, s2;
	s6 =	simm.s32 $0x108;
	_ =	swait.ge @!p0 [sflag:s8], $0x0  }
0x24: {  	s3 =	sadd.s32 $0x88, s3;
	s6 =	simm.s32 @!p1 $0x1082;
	[sflag:s4] =	ssyncset.s32 $0xFFFFF086  }
0x25: {  	[simem:s6], [sflag:s4] =	dma.local [hbm:s3], $0xF7A  }
0x26: {  	[smem:$0x3F9B] =	sst s1;
	(tag) =	ssettag s2;
	_ =	strace s9  }
0x27: {  	s1 =	sld [smem:$0x3FAB]  }
0x28: {  	s2 =	sld [smem:$0x3FAC]  }
0x29: {  	s4 =	sld [smem:$0x3FAE]  }
0x2a: {  	p0 =	seq.s32 s5, $0x0;
	s5 =	sld [smem:$0x3FAF]  }
0x2b: {  	s6 =	sld [smem:$0x3FB0]  }
0x2c: {  	s7 =	sld [smem:$0x3FB1]  }
0x2d: {  	s3 =	simm.s32 $0x108;
	s8 =	sld [smem:$0x3FB2]  }
0x2e: {  	s3 =	simm.s32 @!p0 $0x1082;
	s9 =	sld [smem:$0x3FB3]  }
0x2f: {  	lr =	sadd.s32 s0, s3;
	s0 =	sld [smem:$0x3FAA]  }
0x30: {  	s3 =	sld [smem:$0x3FAD]  }
0x31: {  	[smem:$0x3FB6] =	sst s10  }
0x32: {  	s10 =	sld [smem:$0x3FB4];
	_ =	sdelay $0x3  }
0x33: {  	p0 =	seq.s32 s10, $0x1;
	s10 =	sld [smem:$0x3FB6];
	_ =	sdelay $0x3  }
0x34: {  	[smem:$0x3FB6] =	sst s10  }
0x35: {  	s10 =	sld [smem:$0x3FB5];
	_ =	sdelay $0x3  }
0x36: {  	p1 =	seq.s32 s10, $0x1;
	s10 =	sld [smem:$0x3FB6];
	_ =	sdelay $0x3  }
0x37: {  	[smem:$0x3FB6] =	sst s10  }
0x38: {  	s10 =	sld [smem:$0x3FB7]  }
0x39: {  	_ = 	snop;
	(pc) =	sbr.ind lr, $3  }
0x3a: {  	_ = 	snop  }
0x3b: {  	_ = 	snop  }
0x3c: {  	p2 =	seq.s32 s10, $0x1;
	s10 =	sld [smem:$0x3FB6]  }
0x3d: {  	_ =	shalt  }
0x3e: {  	_ =	shalt  }
0x3f: {  	_ =	shalt  }
0x40: {  	_ =	shalt  }
0x41: {  	_ =	shalt  }
0x42: {  	_ =	shalt  }
0x43: {  	_ =	shalt  }
0x44: {  	_ =	shalt  }
0x45: {  	_ =	shalt  }
0x46: {  	_ =	shalt  }
0x47: {  	_ =	shalt  }
0x48: {  	_ =	shalt  }
0x49: {  	_ =	shalt  }
0x4a: {  	_ =	shalt  }
0x4b: {  	_ =	shalt  }
0x4c: {  	_ =	shalt  }
0x4d: {  	_ =	shalt  }
0x4e: {  	_ =	shalt  }
0x4f: {  	_ =	shalt  }
0x50: {  	_ =	shalt  }
0x51: {  	_ =	shalt  }
0x52: {  	_ =	shalt  }
0x53: {  	_ =	shalt  }
0x54: {  	_ =	shalt  }
0x55: {  	_ =	shalt  }
0x56: {  	_ =	shalt  }
0x57: {  	_ =	shalt  }
0x58: {  	_ =	shalt  }
0x59: {  	_ =	shalt  }
0x5a: {  	_ =	shalt  }
0x5b: {  	_ =	shalt  }
0x5c: {  	_ =	shalt  }
0x5d: {  	_ =	shalt  }
0x5e: {  	_ =	shalt  }
0x5f: {  	_ =	shalt  }
0x60: {  	_ =	shalt  }
0x61: {  	_ =	shalt  }
0x62: {  	_ =	shalt  }
0x63: {  	_ =	shalt  }
0x64: {  	_ =	shalt  }
0x65: {  	_ =	shalt  }
0x66: {  	_ =	shalt  }
0x67: {  	_ =	shalt  }
0x68: {  	_ =	shalt  }
0x69: {  	_ =	shalt  }
0x6a: {  	_ =	shalt  }
0x6b: {  	_ =	shalt  }
0x6c: {  	_ =	shalt  }
0x6d: {  	_ =	shalt  }
0x6e: {  	_ =	shalt  }
0x6f: {  	_ =	shalt  }
0x70: {  	_ =	shalt  }
0x71: {  	_ =	shalt  }
0x72: {  	_ =	shalt  }
0x73: {  	_ =	shalt  }
0x74: {  	_ =	shalt  }
0x75: {  	_ =	shalt  }
0x76: {  	_ =	shalt  }
0x77: {  	_ =	shalt  }
0x78: {  	_ =	shalt  }
0x79: {  	_ =	shalt  }
0x7a: {  	_ =	shalt  }
0x7b: {  	_ =	shalt  }
0x7c: {  	_ =	shalt  }
0x7d: {  	_ =	shalt  }
0x7e: {  	_ =	shalt  }
0x7f: {  	_ =	shalt  }
0x80: {  	_ =	shalt  }
0x81: {  	_ =	shalt  }
0x82: {  	_ =	shalt  }
0x83: {  	_ =	shalt  }
0x84: {  	_ =	shalt  }
0x85: {  	_ =	shalt  }
0x86: {  	_ =	shalt  }
0x87: {  	_ =	shalt  }
.Lfunc_end0:
.L_simem_size_0:
called_computation_lowered:
.L_overlay_start_0:
0x88: {  	s2 =	sld [smem:$0x3FD9]  }
0x89: {  	s3 =	sld [smem:$0x3FFE];
	_ =	sdelay $0x1  }
0x8a: {  	s1 =	srdreg.scid  }
0x8b: {  	s0 =	sand.u32 $0x1, s1  }
0x8c: {  	s16 =	sshll.u32 s0, $0xA;
	s2 =	sadd.s32 s3, s2  }
0x8d: {  	s2 =	sadd.s32 s2, s16  }
0x8e: {  	[smem:$0x3FC2] =	sst s2  }
0x8f: {  	_ = 	snop  }
0x90: {  	(tm) =	ssettm $0x1  }
0x91: {  	s17 =	sld [smem:$0x3FFB];
	_ =	sdelay $0x3  }
0x92: {  	_ =	strace s17  }
0x93: {  	s2 =	sld [smem:$0x3FFC];
	_ =	sdelay $0x3  }
0x94: {  	_ =	strace s2  }
0x95: {  	s2 =	sld [smem:$0x3FFD];
	_ =	sdelay $0x3  }
0x96: {  	_ =	strace s2  }
0x97: {  	_ =	strace $0x8FFFFFFF  }
0x98: {  	s18 =	sld [smem:$0x3FDB];
	_ =	sdelay $0x1  }
0x99: {  	s19 =	simm.s32 $_scs_section_size  }
0x9a: {  	s4 =	simm.s32 $_size__tile_overlayer_lowered;
	s5 =	simm.s32 $_tile_overlayer_lowered  }
0x9b: {  	s22 =	simm.s32 $0x1BFF;
	s21 =	sshll.u32 s5, $0x1;
	s2 =	sadd.s32 s19, s18  }
0x9c: {  	s6 =	simm.s32 $0x0;
	s20 =	sshll.u32 s4, $0x1;
	s4 =	sadd.s32 s21, s2  }
0x9d: {  	[timem:s6], [sflag:s22] =	dma.local [hbm:s4], s20  }
0x9e: {  	_ =	swait.ge [sflag:s22], s20  }
0x9f: {  	s3 =	ssub.s32 $0x0, s20;
	[sflag:s22] =	ssyncset.done $0x0  }
0xa0: {  	[sflag:s22] =	ssyncadd.s32 s3;
	_ =	sdelay $0x1  }
0xa1: {  	s23 =	simm.s32 $0x1B8B  }
0xa2: {  	_ =	swait.ge [sflag:s23], $0x1  }
0xa3: {  	[sflag:s23] =	ssyncset.done $0x0  }
0xa4: {  	s25 =	simm.s32 $0x1B8E;
	s24 =	sld [smem:$0x3FFE];
	[sflag:s23] =	ssyncadd.s32 $0xFFFFFFFF  }
0xa5: {  	s26 =	simm.s32 $execute0_lowered;
	[smem:$0x3FD2] =	sst s25  }
0xa6: {  	s4 =	sshll.u32 s26, $0x1;
	_ =	strace $0x80000046;
	[dreg:$0x1] =	wrdreg $0xFFFFFFFF  }
0xa7: {  	s28 =	simm.s32 $_size_execute0_lowered;
	s2 =	sadd.s32 s2, s4;
	[dreg:$0x0] =	wrdreg $0x0  }
0xa8: {  	s4 =	sshll.u32 s28, $0x1;
	[dreg:$0x2] =	wrdreg s2  }
0xa9: {  	[dreg:$0x3] =	wrdreg s4  }
0xaa: {  	[dreg:$0x4] =	wrdreg $0xC0  }
0xab: {  	_ =	task [dreg:s6], $0x5FFFF  }
0xac: {  	[dreg:$0x1] =	wrdreg $0xFFFFFFFF  }
0xad: {  	[dreg:$0x0] =	wrdreg $0x60  }
0xae: {  	[dreg:$0x2] =	wrdreg s24  }
0xaf: {  	[dreg:$0x3] =	wrdreg $0x6C000  }
0xb0: {  	[dreg:$0x4] =	wrdreg $0x9  }
0xb1: {  	_ =	task.clear_ibuf [dreg:s6], $0x5FFFF;
	_ =	strace $0x90000046  }
0xb2: {  	s29 =	simm.s32 $0x9;
	_ =	strace $0x80000048  }
0xb3: {  	_ =	swait.ge [sflag:s29], $0x1  }
0xb4: {  	[sflag:s29] =	ssyncadd.s32 $0xFFFFFFFF  }
0xb5: {  	_ =	strace $0x90000048  }
0xb6: {  	_ =	sfence  }
0xb7: {  	s30 =	sld [smem:$0x0];
	_ =	sdelay $0x2  }
0xb8: {  	s31 =	sshll.u32 s1, $0xD;
	s1 =	sshrl.u32 s1, $0x2  }
0xb9: {  	s3 =	sand.u32 $0x4000, s31;
	s1 =	sadd.s32 s1, s30  }
0xba: {  	s0 =	sor.u32 s3, s0;
	s1 =	sshll.u32 s1, $0x11  }
0xbb: {  	s0 =	sor.u32 s1, s0  }
0xbc: {  	s0 =	sadd.s32 $0x8F2B, s0  }
0xbd: {  	[sflag:s0] =	ssyncadd.remote.s32 $0x1  }
0xbe: {  	_ =	sfence.sel $0xFFFF  }
0xbf: {  	[dreg:$0x0] =	wrdreg $0xFFFFFFFF;
	(pc) =	sbr.abs _section_cstart, $3  }
0xc0: {  	[dreg:$0x1] =	wrdreg $0xFFFFFFFF  }
0xc1: {  	_ =	task.clear_ibuf [dreg:s6], $0x2FFFF;
	_ =	strace $0x9FFFFFFF  }
0xc2: {  	(tm) =	ssettm $0x7FFFFFFF  }
0xc3: {  	_ =	shalt  }
tec
execute0_lowered:
.L_overlay_start_1:
0x0: {  	(tag) =	ssettag $0x1  }
0x1: {  	s0 =	srdreg.scid;
	s6 =	rddreg [dreg:$0x0]  }
0x2: {  	s2 =	rddreg [dreg:$0x1];
	s5 =	sand.u32 $0x1, s0;
	s0 =	stileid.u32  }
0x3: {  	s3 =	simm.s32 $0x0;
	s14 =	simm.s32 $0x0;
	s7 =	smul.u32 $0x14000, s0  }
0x4: {  	[smem:$0x7FF] =	sst s3;
	s1 =	sshll.u32 s5, $0x4;
	s8 =	smul.u32 $0x140000, s5  }
0x5: {  	s5 =	ssub.s32 $0x2, s5;
	s29 =	smul.u32 $0x50000, s0;
	s31 =	sshll.u32 s0, $0x6  }
0x6: {  	s4 =	sor.u32 s0, s1;
	s1 =	rddreg [dreg:$0x2];
	_ =	strace $0x80000047  }
0x7: {  	s11 =	sshrl.u32 s5, $0x1;
	s4 =	smul.u32 $0x580, s4;
	s10 =	sshrl.u32 s7, $0x3  }
0x8: {  	s7 =	sadd.s32 s7, s8;
	s11 =	ssub.s32 s5, s11;
	s30 =	sshrl.u32 s29, $0x2  }
0x9: {  	s10 =	sadd.s32 s10, s6;
	s7 =	sshrl.u32 s7, $0x3;
	s13 =	sadd.s32 s30, s2  }
0xa: {  	s9 =	sadd.s32 s4, s6;
	s4 =	sadd.s32 $0x34E00, s6;
	s12 =	sadd.s32 s7, s6  }
0xb: {  	s5 =	sadd.s32 $0xCE00, s10;
	s6 =	sor.u32 $0x1C01, s31;
	s10 =	sshrl.u32 s13, $0x3  }
0xc: {  	s13 =	simm.s32 $0x80;
	s7 =	sadd.s32 $0x1E00, s9;
	s8 =	sadd.s32 $0x5CE00, s12  }
0xd: {  	s9 =	smax.u32 s11, $0x1;
	s11 =	simm.s32 $0x1;
	s12 =	simm.s32 $0x2C00  }
.LBB2_1:
0xe: {  	[spmem:s10], [sflag:s6] =	dma.local [hbm:s5], $0x2800  }
0xf: {  	_ =	swait.ge [sflag:s11], $0x2800  }
0x10: {  	[sflag:s11] =	ssyncset.done $0x0  }
0x11: {  	[sflag:s11] =	ssyncadd.s32 $0xFFFFD800  }
0x12: {  	[tilespmem:s12], [sflag:$0x1] =	stream.linear.gather [hbm4b:s4+s3], $0x4000, $0x38;
	[tilespmem:$0x8000] =	vst v63  }
0x13: {  	_ =	swait.ge [sflag:s11], $0x4000  }
0x14: {  	[sflag:s11] =	ssyncset.done $0x0  }
0x15: {  	[sflag:s11] =	ssyncadd.s32 $0xFFFFC000  }
0x16: {  	[tilespmem:s3], [sflag:$0x1] =	stream.linear.gather [hbm4b:s7+s3], $0x2880, $0x38;
	[tilespmem:$0x8000] =	vst v63  }
0x17: {  	_ =	swait.ge [sflag:s11], $0x2880  }
0x18: {  	[sflag:s11] =	ssyncset.done $0x0  }
0x19: {  	[sflag:s11] =	ssyncadd.s32 $0xFFFFD780  }
0x1a: {  	s15 =	simm.s32 $0x0;
	[bflag:$0x0] =	sbarrier.arrive $0xFFFF  }
0x1b: {  	[spmem:s2] =	stream.indirect.scatter.add.f32 [tilespmem:s12], [sflag:$0x1], $0x8, s15, s13, $0xb8;
	[tilespmem:$0x8000] =	vst v63  }
0x1c: {  	_ =	swait.ge [sflag:s11], $0x400  }
0x1d: {  	s15 =	simm.s32 $0x200;
	[sflag:s11] =	ssyncset.done $0x0  }
.LBB2_2:
0x1e: {  	s16 =	sshra.s32 s15, $0x2;
	[sflag:s11] =	ssyncadd.s32 $0xFFFFFC00;
	p0 =	sne.s32 s15, $0xA000  }
0x1f: {  	[spmem:s2] =	stream.indirect.scatter.add.f32 [tilespmem:s12], [sflag:$0x1], $0x8, s16, s13, $0xb8;
	[tilespmem:$0x8000] =	vst v63  }
.Ltmp0:
0x20: {  	_ = 	snop;
	(pc) =	sbr.rel @p0 .LBB2_2-.Ltmp0, $4  }
0x21: {  	_ = 	snop  }
0x22: {  	s15 =	sadd.s32 $0x200, s15  }
0x23: {  	_ =	swait.ge [sflag:s11], $0x400  }
0x24: {  	[sflag:s11] =	ssyncset.done $0x0  }
0x25: {  	s14 =	sadd.s32 $0x1, s14  }
0x26: {  	[sflag:s11] =	ssyncadd.s32 $0xFFFFFC00;
	p0 =	sne.s32 s14, s9  }
.Ltmp1:
0x27: {  	[bflag:$0x0] =	sbarrier.arrive $0xFFFF;
	(pc) =	sbr.rel @p0 .LBB2_1-.Ltmp1, $4  }
0x28: {  	[hbm:s8], [sflag:s6] =	dma.local [spmem:s10], $0x2800  }
0x29: {  	_ =	swait.ge [sflag:s11], $0x2800  }
0x2a: {  	[sflag:s11] =	ssyncset.done $0x0  }
0x2b: {  	[sflag:s11] =	ssyncadd.s32 $0xFFFFD800  }
0x2c: {  	_ =	sfence.sel $0x180000  }
0x2d: {  	[bflag:$0x0] =	sbarrier.arrive $0xFFFF  }
0x2e: {  	p0 =	sne.s32 s0, $0x0;
	_ =	strace $0x90000047  }
0x2f: {  	s0 =	sadd.s32 @!p0 $0x100000, s1;
	[bflag:$0x2] =	sbarrier.arrive $0xFFFF  }
0x30: {  	[sflag:s0] =	ssyncadd.tile.s32 @!p0 $0x1;
	_ =	shalt  }
.Lfunc_end2:
_tile_overlayer_lowered:
.L_overlay_start_2:
0x31: {  	(tag) =	ssettag $0x2  }
0x32: {  	s0 =	rddreg [dreg:$0x0];
	s2 =	stileid.u32  }
0x33: {  	s1 =	rddreg [dreg:$0x1];
	p0 =	sne.s32 s2, $0x0  }
0x34: {  	s3 =	rddreg [dreg:$0x2];
	[bflag:$0x3] =	sbarrier.arrive $0xFFFF;
	s2 =	simm.s32 @!p0 $0x1C01  }
0x35: {  	[timem:s3], [sflag:s2] =	dma.local @!p0 [hbm:s0], s1  }
0x36: {  	s0 =	simm.s32 @!p0 $0x1  }
0x37: {  	_ =	swait.ge @!p0 [sflag:s0], s1  }
0x38: {  	s1 =	ssub.s32 @!p0 $0x0, s1;
	[sflag:s0] =	ssyncset.done @!p0 $0x0  }
0x39: {  	[sflag:s0] =	ssyncadd.s32 @!p0 s1  }
0x3a: {  	[bflag:$0x3] =	sbarrier.arrive $0xFFFF  }
0x3b: {  	_ =	shalt  }

</sc_bundles>
